<compile_context>
chip_gen: v7x
topology: tpu7x:2x2x1
jax: 0.10.2.dev20260603
libtpu: 0.0.44.dev20260713+nightly
codegen_flags: <defaults>
</compile_context>

<pallas_src>
import functools

import numpy as np

import jax
import jax.numpy as jnp
from jax import lax
from jax.experimental import pallas as pl
from jax.experimental.pallas import tpu as pltpu
from jax.experimental.pallas import tpu_sc as plsc

_K = 26214
_NROW = 128
_NCOL = 262144
_NC = 2
_NS = 16
_NW = _NC * _NS
_RPW = _NROW // _NW
_CH = 16384
_NCHUNK = _NCOL // _CH
_UNROLL = 16
_MINT = np.int32(-2147483648)


def _scan_hist(hist, gsum, rank):
  zeros16 = jnp.zeros((16,), jnp.int32)
  iota16 = lax.iota(jnp.int32, 16)

  @plsc.parallel_loop(0, 256, unroll=2)
  def _(g):
    acc = zeros16
    for j in range(16):
      acc = acc + hist[pl.ds((g * 16 + j) * 16, 16)]
    gsum[pl.ds(g * 16, 16)] = acc

  def descend(nsteps, load_vec, rank_in):
    def body(i, carry):
      acc, jstar, above = carry
      j = nsteps - 1 - i
      tot = jnp.sum(load_vec(j))
      crossed = jnp.logical_and(acc < rank_in, acc + tot >= rank_in)
      jstar = jnp.where(crossed, j, jstar)
      above = jnp.where(crossed, acc, above)
      return (acc + tot, jstar, above)
    _, jstar, above = lax.fori_loop(
        0, nsteps, body, (jnp.int32(0), jnp.int32(0), jnp.int32(0)))
    return jstar, rank_in - above

  def sum_supergroup(G):
    def s2(j, a):
      return a + gsum[pl.ds((G * 16 + j) * 16, 16)]
    return lax.fori_loop(0, 16, s2, zeros16)
  Gstar, rank1 = descend(16, sum_supergroup, rank)

  gstar, rank2 = descend(
      16, lambda j: gsum[pl.ds((Gstar * 16 + j) * 16, 16)], rank1)
  g_abs = Gstar * 16 + gstar

  vstar, rank3 = descend(
      16, lambda j: hist[pl.ds((g_abs * 16 + j) * 16, 16)], rank2)
  v_abs = g_abs * 16 + vstar

  vec = hist[pl.ds(v_abs * 16, 16)]
  rv = jnp.flip(vec)
  cs = jnp.cumsum(rv)
  cnt = jnp.sum((cs >= rank3).astype(jnp.int32))
  istar = 16 - cnt
  lane = 15 - istar
  above4 = jnp.sum(jnp.where(iota16 < istar, rv, 0))
  return v_abs * 16 + lane, rank3 - above4


def _sc_body(x_hbm, out_hbm, buf, hist, gsum, tvbuf, sem0, sem1):
  wid = lax.axis_index("s") * _NC + lax.axis_index("c")
  row0 = wid * _RPW
  iota16 = lax.iota(jnp.int32, 16)
  ones16 = jnp.ones((16,), jnp.int32)
  zeros16 = jnp.zeros((16,), jnp.int32)
  sems = (sem0, sem1)

  def zero_hist():
    @plsc.parallel_loop(0, 4096, unroll=8)
    def _(i):
      hist[pl.ds(i * 16, 16)] = zeros16

  def chunk_copy(row, c, slot):
    return pltpu.make_async_copy(
        x_hbm.at[row, c // 2, pl.ds((c % 2) * _CH, _CH)],
        buf.at[pl.ds(slot * _CH, _CH)],
        sems[slot])

  def stream_pass(row, process_chunk):
    chunk_copy(row, jnp.int32(0), 0).start()

    def chunk_body(c, _):
      even = lax.rem(c, 2) == 0
      nxt = c + 1

      @pl.when(jnp.logical_and(nxt < _NCHUNK, lax.rem(nxt, 2) == 0))
      def _():
        chunk_copy(row, nxt, 0).start()

      @pl.when(jnp.logical_and(nxt < _NCHUNK, lax.rem(nxt, 2) == 1))
      def _():
        chunk_copy(row, nxt, 1).start()

      @pl.when(even)
      def _():
        chunk_copy(row, c, 0).wait()

      @pl.when(jnp.logical_not(even))
      def _():
        chunk_copy(row, c, 1).wait()

      process_chunk(lax.rem(c, 2) * _CH)
      return 0

    lax.fori_loop(0, _NCHUNK, chunk_body, 0)

  def keys_at(slot_off, off):
    u = plsc.bitcast(buf[pl.ds(slot_off + off, 16)], jnp.int32)
    return u ^ (_MINT | (u >> 31))

  zero_hist()

  def row_body(r, tv_vec):
    row = row0 + r

    def p1(slot_off):
      @plsc.parallel_loop(0, _CH // 16, unroll=_UNROLL)
      def _(i):
        key = keys_at(slot_off, i * 16)
        b = lax.shift_right_logical(key, 16)
        plsc.addupdate_scatter(hist, [b], ones16)
    stream_pass(row, p1)
    h_star, rank2 = _scan_hist(hist, gsum, jnp.int32(_K))
    zero_hist()

    def p2(slot_off):
      @plsc.parallel_loop(0, _CH // 16, unroll=_UNROLL)
      def _(i):
        key = keys_at(slot_off, i * 16)
        b = lax.shift_right_logical(key, 16)
        lo = key & np.int32(0xFFFF)
        plsc.addupdate_scatter(hist, [lo], ones16, mask=b == h_star)
    stream_pass(row, p2)
    l_star, _ = _scan_hist(hist, gsum, rank2)
    zero_hist()

    key_star = (h_star << 16) | l_star
    kvec = jnp.full((16,), key_star, jnp.int32)
    uvec = jnp.where(kvec < 0, kvec ^ _MINT, ~kvec)
    return jnp.where(iota16 == r, uvec, tv_vec)

  tv_vec = lax.fori_loop(0, _RPW, row_body, jnp.zeros((16,), jnp.int32))

  tvbuf[pl.ds(0, 16)] = tv_vec
  pltpu.sync_copy(tvbuf, out_hbm.at[pl.ds(wid * 16, 16)])


_sc_select = functools.partial(
    pl.kernel,
    out_type=jax.ShapeDtypeStruct((_NW * 16,), jnp.int32),
    mesh=plsc.VectorSubcoreMesh(
        core_axis_name="c", subcore_axis_name="s",
        num_cores=_NC, num_subcores=_NS),
    compiler_params=pltpu.CompilerParams(needs_layout_passes=False),
    scratch_types=[
        pltpu.VMEM((2 * _CH,), jnp.float32),
        pltpu.VMEM((65536,), jnp.int32),
        pltpu.VMEM((4096,), jnp.int32),
        pltpu.VMEM((16,), jnp.int32),
        pltpu.SemaphoreType.DMA,
        pltpu.SemaphoreType.DMA,
    ],
)(_sc_body)


_BR = 4


def _mask_body(tv_ref, x_ref, o_ref):
  xv = x_ref[...]
  o_ref[...] = jnp.where(xv < tv_ref[...], xv, jnp.float32(0))


@jax.jit
def kernel(x):
  tvout = lax.bitcast_convert_type(_sc_select(x), jnp.float32)
  tv = tvout.reshape(_NW, 16)[:, :_RPW].reshape(_NROW, 1, 1)
  return pl.pallas_call(
      _mask_body,
      out_shape=jax.ShapeDtypeStruct(x.shape, x.dtype),
      grid=(_NROW // _BR,),
      in_specs=[
          pl.BlockSpec((_BR, 1, 1), lambda i: (i, 0, 0)),
          pl.BlockSpec((_BR, 8, 32768), lambda i: (i, 0, 0)),
      ],
      out_specs=pl.BlockSpec((_BR, 8, 32768), lambda i: (i, 0, 0)),
  )(tv, x)

# --- scband reference (transcript-rebuilt; emitter-appended) ---
"""Pipeline reference for scband-k-wta-81381040324887 (READ-ONLY COPY).

The authoritative reference and input builder live on the scoring server;
editing this copy changes nothing except your own understanding.
"""

import jax, jax.numpy as jnp
import numpy as np

K = int(0.1 * 262144)  # 26214, from gamma * in_features

def setup_inputs(seed: int = 0) -> dict:
    key = jax.random.key(seed)
    x = jax.random.normal(key, (128, 8, 32768), dtype=jnp.float32)
    return {"x": x}

def reference(x):
    # Faithful translation of K_WTA.forward (timing/print side effects omitted)
    B = x.shape[0]
    tmpx = x.reshape(B, -1)
    topval = jax.lax.top_k(tmpx, K)[0][:, -1]
    topval = topval.reshape(-1, 1, 1)
    mask = topval > x
    out = mask * x
    return out

if __name__ == "__main__":
    import jax
    _d = setup_inputs()
    print(jax.jit(kernel)(*tuple(_d.values())))

</pallas_src>

<mosaic_0001>
#map = affine_map<(d0, d1) -> (0, 0, 0)>
#map1 = affine_map<(d0, d1) -> (0)>
module attributes {stable_mosaic.version = 14 : i64} {
  func.func @_sc_body(%arg0: i32, %arg1: i32, %arg2: memref<128x8x32768xf32, #tpu.memory_space<hbm>>, %arg3: memref<512xi32, #tpu.memory_space<hbm>>, %arg4: memref<32768xf32, #tpu.memory_space<vmem>>, %arg5: memref<65536xi32, #tpu.memory_space<vmem>>, %arg6: memref<4096xi32, #tpu.memory_space<vmem>>, %arg7: memref<16xi32, #tpu.memory_space<vmem>>, %arg8: memref<!tpu.dma_semaphore, #tpu.memory_space<semaphore_mem>>, %arg9: memref<!tpu.dma_semaphore, #tpu.memory_space<semaphore_mem>>) attributes {dimension_semantics = [#tpu.dimension_semantics<core_parallel>, #tpu.dimension_semantics<subcore_parallel>], iteration_bounds = array<i64: 2, 16>, scalar_prefetch = 0 : i64, scratch_operands = 6 : i64, tpu.core_type = #tpu.core_type<sc_vector_subcore>, window_params = [{transform_indices = #map}, {transform_indices = #map1}]} {
    %mul3A = arith.constant 2 : i32
    %mul3A_0 = arith.muli %arg1, %mul3A : i32
    %add3A = arith.addi %mul3A_0, %arg0 : i32
    %mul3A_1 = arith.constant 4 : i32
    %mul3A_2 = arith.muli %add3A, %mul3A_1 : i32
    %iota3A = tpu.iota {dimensions = array<i32: 0>} : vector<16xi32>
    %broadcast_in_dim3A = arith.constant 1 : i32
    %broadcast_in_dim3A_3 = vector.broadcast %broadcast_in_dim3A : i32 to vector<16xi32>
    %broadcast_in_dim3A_4 = arith.constant 0 : i32
    %broadcast_in_dim3A_5 = vector.broadcast %broadcast_in_dim3A_4 : i32 to vector<16xi32>
    %parallel_loop3A = arith.constant 0 : i32
    %parallel_loop3A_6 = arith.constant 4096 : i32
    %parallel_loop3A_7 = arith.constant 1 : i32
    scf.for %parallel_loop3A_18 = %parallel_loop3A to %parallel_loop3A_6 step %parallel_loop3A_7  : i32 {
      %parallel_loop3A_19 = arith.constant 16 : i32
      %parallel_loop3A_20 = arith.muli %parallel_loop3A_18, %parallel_loop3A_19 : i32
      %parallel_loop3A_21 = arith.index_cast %parallel_loop3A_20 : i32 to index
      %parallel_loop3A_22 = tpu.vector_load %arg5[%parallel_loop3A_21] {strides = array<i32>} : memref<65536xi32, #tpu.memory_space<vmem>>, vector<16xi32>,
      tpu.vector_store %arg5[%parallel_loop3A_21], %broadcast_in_dim3A_5 {strides = array<i32>} : memref<65536xi32, #tpu.memory_space<vmem>>, vector<16xi32>,
    } {sc.loop_unroll_factor = 8 : i64, sc.parallel_access}
    %broadcast_in_dim3A_8 = arith.constant 0 : i32
    %broadcast_in_dim3A_9 = vector.broadcast %broadcast_in_dim3A_8 : i32 to vector<16xi32>
    %scan3A = arith.constant 0 : i32
    %scan3A_10 = arith.constant 4 : i32
    %scan3A_11 = arith.addi %scan3A, %scan3A_10 : i32
    %scan3A_12 = arith.constant 1 : i32
    %scan3A_13 = scf.for %scan3A_18 = %scan3A to %scan3A_11 step %scan3A_12 iter_args(%scan3A_19 = %broadcast_in_dim3A_9) -> (vector<16xi32>)  : i32 {
      %add3A_20 = arith.addi %mul3A_2, %scan3A_18 : i32
      %jit3A = arith.constant 0 : i32
      %jit3A_21 = arith.constant 2 : i32
      %div3A = arith.divsi %jit3A, %jit3A_21 : i32
      %sign3A = arith.constant 0 : i32
      %sign3A_22 = arith.cmpi sgt, %jit3A, %sign3A : i32
      %sign3A_23 = arith.extui %sign3A_22 : i1 to i32
      %sign3A_24 = arith.constant 0 : i32
      %sign3A_25 = arith.cmpi slt, %jit3A, %sign3A_24 : i32
      %sign3A_26 = arith.extui %sign3A_25 : i1 to i32
      %sign3A_27 = arith.subi %sign3A_23, %sign3A_26 : i32
      %sign3A_28 = arith.constant 0 : i32
      %sign3A_29 = arith.cmpi sgt, %jit3A_21, %sign3A_28 : i32
      %sign3A_30 = arith.extui %sign3A_29 : i1 to i32
      %sign3A_31 = arith.constant 0 : i32
      %sign3A_32 = arith.cmpi slt, %jit3A_21, %sign3A_31 : i32
      %sign3A_33 = arith.extui %sign3A_32 : i1 to i32
      %sign3A_34 = arith.subi %sign3A_30, %sign3A_33 : i32
      %ne3A = arith.cmpi ne, %sign3A_27, %sign3A_34 : i32
      %rem3A = arith.remsi %jit3A, %jit3A_21 : i32
      %ne3A_35 = arith.constant 0 : i32
      %ne3A_36 = arith.cmpi ne, %rem3A, %ne3A_35 : i32
      %and3A = arith.andi %ne3A, %ne3A_36 : i1
      %sub3A = arith.constant 1 : i32
      %sub3A_37 = arith.subi %div3A, %sub3A : i32
      %select_n3A = arith.select %and3A, %sub3A_37, %div3A : i32
      %jit3A_38 = arith.constant 0 : i32
      %jit3A_39 = arith.constant 2 : i32
      %eq3A = arith.constant 0 : i32
      %eq3A_40 = arith.cmpi eq, %jit3A_39, %eq3A : i32
      %jit3A_41 = arith.constant 1 : i32
      %select_n3A_42 = arith.select %eq3A_40, %jit3A_41, %jit3A_39 : i32
      %rem3A_43 = arith.remsi %jit3A_38, %select_n3A_42 : i32
      %ne3A_44 = arith.constant 0 : i32
      %ne3A_45 = arith.cmpi ne, %rem3A_43, %ne3A_44 : i32
      %lt3A = arith.constant 0 : i32
      %lt3A_46 = arith.cmpi slt, %rem3A_43, %lt3A : i32
      %lt3A_47 = arith.constant 0 : i32
      %lt3A_48 = arith.cmpi slt, %select_n3A_42, %lt3A_47 : i32
      %ne3A_49 = arith.xori %lt3A_46, %lt3A_48 : i1
      %and3A_50 = arith.andi %ne3A_49, %ne3A_45 : i1
      %add3A_51 = arith.addi %rem3A_43, %select_n3A_42 : i32
      %select_n3A_52 = arith.select %and3A_50, %add3A_51, %rem3A_43 : i32
      %mul3A_53 = arith.constant 16384 : i32
      %mul3A_54 = arith.muli %select_n3A_52, %mul3A_53 : i32
      %dma_start3A = arith.constant 0 : i32
      %dma_start3A_55 = tpu.memref_slice %arg4[%dma_start3A] : memref<32768xf32, #tpu.memory_space<vmem>> -> memref<16384xf32, #tpu.memory_space<vmem>>
      %dma_start3A_56 = tpu.memref_slice %arg2[%add3A_20, %select_n3A, %mul3A_54] : memref<128x8x32768xf32, #tpu.memory_space<hbm>> -> memref<1x1x16384xf32, #tpu.memory_space<hbm>>
      %dma_start3A_57 = tpu.memref_squeeze %dma_start3A_56 : memref<1x1x16384xf32, #tpu.memory_space<hbm>> -> memref<16384xf32, #tpu.memory_space<hbm>>
      %dma_start3A_58 = arith.constant 0 : i32
      %dma_start3A_59 = tpu.memref_slice %arg4[%dma_start3A_58] : memref<32768xf32, #tpu.memory_space<vmem>> -> memref<16384xf32, #tpu.memory_space<vmem>>
      %dma_start3A_60 = tpu.memref_slice %arg2[%add3A_20, %select_n3A, %mul3A_54] : memref<128x8x32768xf32, #tpu.memory_space<hbm>> -> memref<1x1x16384xf32, #tpu.memory_space<hbm>>
      %dma_start3A_61 = tpu.memref_squeeze %dma_start3A_60 : memref<1x1x16384xf32, #tpu.memory_space<hbm>> -> memref<16384xf32, #tpu.memory_space<hbm>>
      tpu.enqueue_dma source(%dma_start3A_61 : memref<16384xf32, #tpu.memory_space<hbm>>) target(%dma_start3A_59 : memref<16384xf32, #tpu.memory_space<vmem>>) target_semaphore(%arg8 : memref<!tpu.dma_semaphore, #tpu.memory_space<semaphore_mem>>)
      %scan3A_62 = arith.constant 0 : i32
      %scan3A_63 = arith.constant 0 : i32
      %scan3A_64 = arith.constant 16 : i32
      %scan3A_65 = arith.addi %scan3A_63, %scan3A_64 : i32
      %scan3A_66 = arith.constant 1 : i32
      %scan3A_67 = scf.for %scan3A_298 = %scan3A_63 to %scan3A_65 step %scan3A_66 iter_args(%scan3A_299 = %scan3A_62) -> (i32)  : i32 {
        %rem3A_300 = arith.constant 2 : i32
        %rem3A_301 = arith.remsi %scan3A_298, %rem3A_300 : i32
        %eq3A_302 = arith.constant 0 : i32
        %eq3A_303 = arith.cmpi eq, %rem3A_301, %eq3A_302 : i32
        %add3A_304 = arith.constant 1 : i32
        %add3A_305 = arith.addi %scan3A_298, %add3A_304 : i32
        %lt3A_306 = arith.constant 16 : i32
        %lt3A_307 = arith.cmpi slt, %add3A_305, %lt3A_306 : i32
        %rem3A_308 = arith.constant 2 : i32
        %rem3A_309 = arith.remsi %add3A_305, %rem3A_308 : i32
        %eq3A_310 = arith.constant 0 : i32
        %eq3A_311 = arith.cmpi eq, %rem3A_309, %eq3A_310 : i32
        %and3A_312 = arith.andi %lt3A_307, %eq3A_311 : i1
        %convert_element_type3A_313 = arith.extui %and3A_312 : i1 to i32
        %cond3A = arith.constant 0 : i32
        %cond3A_314 = arith.cmpi ne, %convert_element_type3A_313, %cond3A : i32
        scf.if %cond3A_314 {
          %jit3A_341 = arith.constant 2 : i32
          %div3A_342 = arith.divsi %add3A_305, %jit3A_341 : i32
          %sign3A_343 = arith.constant 0 : i32
          %sign3A_344 = arith.cmpi sgt, %add3A_305, %sign3A_343 : i32
          %sign3A_345 = arith.extui %sign3A_344 : i1 to i32
          %sign3A_346 = arith.constant 0 : i32
          %sign3A_347 = arith.cmpi slt, %add3A_305, %sign3A_346 : i32
          %sign3A_348 = arith.extui %sign3A_347 : i1 to i32
          %sign3A_349 = arith.subi %sign3A_345, %sign3A_348 : i32
          %sign3A_350 = arith.constant 0 : i32
          %sign3A_351 = arith.cmpi sgt, %jit3A_341, %sign3A_350 : i32
          %sign3A_352 = arith.extui %sign3A_351 : i1 to i32
          %sign3A_353 = arith.constant 0 : i32
          %sign3A_354 = arith.cmpi slt, %jit3A_341, %sign3A_353 : i32
          %sign3A_355 = arith.extui %sign3A_354 : i1 to i32
          %sign3A_356 = arith.subi %sign3A_352, %sign3A_355 : i32
          %ne3A_357 = arith.cmpi ne, %sign3A_349, %sign3A_356 : i32
          %rem3A_358 = arith.remsi %add3A_305, %jit3A_341 : i32
          %ne3A_359 = arith.constant 0 : i32
          %ne3A_360 = arith.cmpi ne, %rem3A_358, %ne3A_359 : i32
          %and3A_361 = arith.andi %ne3A_357, %ne3A_360 : i1
          %sub3A_362 = arith.constant 1 : i32
          %sub3A_363 = arith.subi %div3A_342, %sub3A_362 : i32
          %select_n3A_364 = arith.select %and3A_361, %sub3A_363, %div3A_342 : i32
          %jit3A_365 = arith.constant 2 : i32
          %eq3A_366 = arith.constant 0 : i32
          %eq3A_367 = arith.cmpi eq, %jit3A_365, %eq3A_366 : i32
          %jit3A_368 = arith.constant 1 : i32
          %select_n3A_369 = arith.select %eq3A_367, %jit3A_368, %jit3A_365 : i32
          %rem3A_370 = arith.remsi %add3A_305, %select_n3A_369 : i32
          %ne3A_371 = arith.constant 0 : i32
          %ne3A_372 = arith.cmpi ne, %rem3A_370, %ne3A_371 : i32
          %lt3A_373 = arith.constant 0 : i32
          %lt3A_374 = arith.cmpi slt, %rem3A_370, %lt3A_373 : i32
          %lt3A_375 = arith.constant 0 : i32
          %lt3A_376 = arith.cmpi slt, %select_n3A_369, %lt3A_375 : i32
          %ne3A_377 = arith.xori %lt3A_374, %lt3A_376 : i1
          %and3A_378 = arith.andi %ne3A_377, %ne3A_372 : i1
          %add3A_379 = arith.addi %rem3A_370, %select_n3A_369 : i32
          %select_n3A_380 = arith.select %and3A_378, %add3A_379, %rem3A_370 : i32
          %mul3A_381 = arith.constant 16384 : i32
          %mul3A_382 = arith.muli %select_n3A_380, %mul3A_381 : i32
          %dma_start3A_383 = arith.constant 0 : i32
          %dma_start3A_384 = tpu.memref_slice %arg4[%dma_start3A_383] : memref<32768xf32, #tpu.memory_space<vmem>> -> memref<16384xf32, #tpu.memory_space<vmem>>
          %dma_start3A_385 = tpu.memref_slice %arg2[%add3A_20, %select_n3A_364, %mul3A_382] : memref<128x8x32768xf32, #tpu.memory_space<hbm>> -> memref<1x1x16384xf32, #tpu.memory_space<hbm>>
          %dma_start3A_386 = tpu.memref_squeeze %dma_start3A_385 : memref<1x1x16384xf32, #tpu.memory_space<hbm>> -> memref<16384xf32, #tpu.memory_space<hbm>>
          %dma_start3A_387 = arith.constant 0 : i32
          %dma_start3A_388 = tpu.memref_slice %arg4[%dma_start3A_387] : memref<32768xf32, #tpu.memory_space<vmem>> -> memref<16384xf32, #tpu.memory_space<vmem>>
          %dma_start3A_389 = tpu.memref_slice %arg2[%add3A_20, %select_n3A_364, %mul3A_382] : memref<128x8x32768xf32, #tpu.memory_space<hbm>> -> memref<1x1x16384xf32, #tpu.memory_space<hbm>>
          %dma_start3A_390 = tpu.memref_squeeze %dma_start3A_389 : memref<1x1x16384xf32, #tpu.memory_space<hbm>> -> memref<16384xf32, #tpu.memory_space<hbm>>
          tpu.enqueue_dma source(%dma_start3A_390 : memref<16384xf32, #tpu.memory_space<hbm>>) target(%dma_start3A_388 : memref<16384xf32, #tpu.memory_space<vmem>>) target_semaphore(%arg8 : memref<!tpu.dma_semaphore, #tpu.memory_space<semaphore_mem>>)
        } else {
        }
        %lt3A_315 = arith.constant 16 : i32
        %lt3A_316 = arith.cmpi slt, %add3A_305, %lt3A_315 : i32
        %rem3A_317 = arith.constant 2 : i32
        %rem3A_318 = arith.remsi %add3A_305, %rem3A_317 : i32
        %eq3A_319 = arith.constant 1 : i32
        %eq3A_320 = arith.cmpi eq, %rem3A_318, %eq3A_319 : i32
        %and3A_321 = arith.andi %lt3A_316, %eq3A_320 : i1
        %convert_element_type3A_322 = arith.extui %and3A_321 : i1 to i32
        %cond3A_323 = arith.constant 0 : i32
        %cond3A_324 = arith.cmpi ne, %convert_element_type3A_322, %cond3A_323 : i32
        scf.if %cond3A_324 {
          %jit3A_341 = arith.constant 2 : i32
          %div3A_342 = arith.divsi %add3A_305, %jit3A_341 : i32
          %sign3A_343 = arith.constant 0 : i32
          %sign3A_344 = arith.cmpi sgt, %add3A_305, %sign3A_343 : i32
          %sign3A_345 = arith.extui %sign3A_344 : i1 to i32
          %sign3A_346 = arith.constant 0 : i32
          %sign3A_347 = arith.cmpi slt, %add3A_305, %sign3A_346 : i32
          %sign3A_348 = arith.extui %sign3A_347 : i1 to i32
          %sign3A_349 = arith.subi %sign3A_345, %sign3A_348 : i32
          %sign3A_350 = arith.constant 0 : i32
          %sign3A_351 = arith.cmpi sgt, %jit3A_341, %sign3A_350 : i32
          %sign3A_352 = arith.extui %sign3A_351 : i1 to i32
          %sign3A_353 = arith.constant 0 : i32
          %sign3A_354 = arith.cmpi slt, %jit3A_341, %sign3A_353 : i32
          %sign3A_355 = arith.extui %sign3A_354 : i1 to i32
          %sign3A_356 = arith.subi %sign3A_352, %sign3A_355 : i32
          %ne3A_357 = arith.cmpi ne, %sign3A_349, %sign3A_356 : i32
          %rem3A_358 = arith.remsi %add3A_305, %jit3A_341 : i32
          %ne3A_359 = arith.constant 0 : i32
          %ne3A_360 = arith.cmpi ne, %rem3A_358, %ne3A_359 : i32
          %and3A_361 = arith.andi %ne3A_357, %ne3A_360 : i1
          %sub3A_362 = arith.constant 1 : i32
          %sub3A_363 = arith.subi %div3A_342, %sub3A_362 : i32
          %select_n3A_364 = arith.select %and3A_361, %sub3A_363, %div3A_342 : i32
          %jit3A_365 = arith.constant 2 : i32
          %eq3A_366 = arith.constant 0 : i32
          %eq3A_367 = arith.cmpi eq, %jit3A_365, %eq3A_366 : i32
          %jit3A_368 = arith.constant 1 : i32
          %select_n3A_369 = arith.select %eq3A_367, %jit3A_368, %jit3A_365 : i32
          %rem3A_370 = arith.remsi %add3A_305, %select_n3A_369 : i32
          %ne3A_371 = arith.constant 0 : i32
          %ne3A_372 = arith.cmpi ne, %rem3A_370, %ne3A_371 : i32
          %lt3A_373 = arith.constant 0 : i32
          %lt3A_374 = arith.cmpi slt, %rem3A_370, %lt3A_373 : i32
          %lt3A_375 = arith.constant 0 : i32
          %lt3A_376 = arith.cmpi slt, %select_n3A_369, %lt3A_375 : i32
          %ne3A_377 = arith.xori %lt3A_374, %lt3A_376 : i1
          %and3A_378 = arith.andi %ne3A_377, %ne3A_372 : i1
          %add3A_379 = arith.addi %rem3A_370, %select_n3A_369 : i32
          %select_n3A_380 = arith.select %and3A_378, %add3A_379, %rem3A_370 : i32
          %mul3A_381 = arith.constant 16384 : i32
          %mul3A_382 = arith.muli %select_n3A_380, %mul3A_381 : i32
          %dma_start3A_383 = arith.constant 16384 : i32
          %dma_start3A_384 = tpu.memref_slice %arg4[%dma_start3A_383] : memref<32768xf32, #tpu.memory_space<vmem>> -> memref<16384xf32, #tpu.memory_space<vmem>>
          %dma_start3A_385 = tpu.memref_slice %arg2[%add3A_20, %select_n3A_364, %mul3A_382] : memref<128x8x32768xf32, #tpu.memory_space<hbm>> -> memref<1x1x16384xf32, #tpu.memory_space<hbm>>
          %dma_start3A_386 = tpu.memref_squeeze %dma_start3A_385 : memref<1x1x16384xf32, #tpu.memory_space<hbm>> -> memref<16384xf32, #tpu.memory_space<hbm>>
          %dma_start3A_387 = arith.constant 16384 : i32
          %dma_start3A_388 = tpu.memref_slice %arg4[%dma_start3A_387] : memref<32768xf32, #tpu.memory_space<vmem>> -> memref<16384xf32, #tpu.memory_space<vmem>>
          %dma_start3A_389 = tpu.memref_slice %arg2[%add3A_20, %select_n3A_364, %mul3A_382] : memref<128x8x32768xf32, #tpu.memory_space<hbm>> -> memref<1x1x16384xf32, #tpu.memory_space<hbm>>
          %dma_start3A_390 = tpu.memref_squeeze %dma_start3A_389 : memref<1x1x16384xf32, #tpu.memory_space<hbm>> -> memref<16384xf32, #tpu.memory_space<hbm>>
          tpu.enqueue_dma source(%dma_start3A_390 : memref<16384xf32, #tpu.memory_space<hbm>>) target(%dma_start3A_388 : memref<16384xf32, #tpu.memory_space<vmem>>) target_semaphore(%arg9 : memref<!tpu.dma_semaphore, #tpu.memory_space<semaphore_mem>>)
        } else {
        }
        %convert_element_type3A_325 = arith.extui %eq3A_303 : i1 to i32
        %cond3A_326 = arith.constant 0 : i32
        %cond3A_327 = arith.cmpi ne, %convert_element_type3A_325, %cond3A_326 : i32
        scf.if %cond3A_327 {
          %jit3A_341 = arith.constant 2 : i32
          %div3A_342 = arith.divsi %scan3A_298, %jit3A_341 : i32
          %sign3A_343 = arith.constant 0 : i32
          %sign3A_344 = arith.cmpi sgt, %scan3A_298, %sign3A_343 : i32
          %sign3A_345 = arith.extui %sign3A_344 : i1 to i32
          %sign3A_346 = arith.constant 0 : i32
          %sign3A_347 = arith.cmpi slt, %scan3A_298, %sign3A_346 : i32
          %sign3A_348 = arith.extui %sign3A_347 : i1 to i32
          %sign3A_349 = arith.subi %sign3A_345, %sign3A_348 : i32
          %sign3A_350 = arith.constant 0 : i32
          %sign3A_351 = arith.cmpi sgt, %jit3A_341, %sign3A_350 : i32
          %sign3A_352 = arith.extui %sign3A_351 : i1 to i32
          %sign3A_353 = arith.constant 0 : i32
          %sign3A_354 = arith.cmpi slt, %jit3A_341, %sign3A_353 : i32
          %sign3A_355 = arith.extui %sign3A_354 : i1 to i32
          %sign3A_356 = arith.subi %sign3A_352, %sign3A_355 : i32
          %ne3A_357 = arith.cmpi ne, %sign3A_349, %sign3A_356 : i32
          %rem3A_358 = arith.remsi %scan3A_298, %jit3A_341 : i32
          %ne3A_359 = arith.constant 0 : i32
          %ne3A_360 = arith.cmpi ne, %rem3A_358, %ne3A_359 : i32
          %and3A_361 = arith.andi %ne3A_357, %ne3A_360 : i1
          %sub3A_362 = arith.constant 1 : i32
          %sub3A_363 = arith.subi %div3A_342, %sub3A_362 : i32
          %select_n3A_364 = arith.select %and3A_361, %sub3A_363, %div3A_342 : i32
          %jit3A_365 = arith.constant 2 : i32
          %eq3A_366 = arith.constant 0 : i32
          %eq3A_367 = arith.cmpi eq, %jit3A_365, %eq3A_366 : i32
          %jit3A_368 = arith.constant 1 : i32
          %select_n3A_369 = arith.select %eq3A_367, %jit3A_368, %jit3A_365 : i32
          %rem3A_370 = arith.remsi %scan3A_298, %select_n3A_369 : i32
          %ne3A_371 = arith.constant 0 : i32
          %ne3A_372 = arith.cmpi ne, %rem3A_370, %ne3A_371 : i32
          %lt3A_373 = arith.constant 0 : i32
          %lt3A_374 = arith.cmpi slt, %rem3A_370, %lt3A_373 : i32
          %lt3A_375 = arith.constant 0 : i32
          %lt3A_376 = arith.cmpi slt, %select_n3A_369, %lt3A_375 : i32
          %ne3A_377 = arith.xori %lt3A_374, %lt3A_376 : i1
          %and3A_378 = arith.andi %ne3A_377, %ne3A_372 : i1
          %add3A_379 = arith.addi %rem3A_370, %select_n3A_369 : i32
          %select_n3A_380 = arith.select %and3A_378, %add3A_379, %rem3A_370 : i32
          %mul3A_381 = arith.constant 16384 : i32
          %mul3A_382 = arith.muli %select_n3A_380, %mul3A_381 : i32
          %dma_wait3A = arith.constant 0 : i32
          %dma_wait3A_383 = tpu.memref_slice %arg4[%dma_wait3A] : memref<32768xf32, #tpu.memory_space<vmem>> -> memref<16384xf32, #tpu.memory_space<vmem>>
          %dma_wait3A_384 = tpu.memref_slice %arg2[%add3A_20, %select_n3A_364, %mul3A_382] : memref<128x8x32768xf32, #tpu.memory_space<hbm>> -> memref<1x1x16384xf32, #tpu.memory_space<hbm>>
          %dma_wait3A_385 = tpu.memref_squeeze %dma_wait3A_384 : memref<1x1x16384xf32, #tpu.memory_space<hbm>> -> memref<16384xf32, #tpu.memory_space<hbm>>
          %dma_wait3A_386 = arith.constant 0 : i32
          %dma_wait3A_387 = tpu.memref_slice %arg4[%dma_wait3A_386] : memref<32768xf32, #tpu.memory_space<vmem>> -> memref<16384xf32, #tpu.memory_space<vmem>>
          %dma_wait3A_388 = tpu.memref_slice %arg2[%add3A_20, %select_n3A_364, %mul3A_382] : memref<128x8x32768xf32, #tpu.memory_space<hbm>> -> memref<1x1x16384xf32, #tpu.memory_space<hbm>>
          %dma_wait3A_389 = tpu.memref_squeeze %dma_wait3A_388 : memref<1x1x16384xf32, #tpu.memory_space<hbm>> -> memref<16384xf32, #tpu.memory_space<hbm>>
          tpu.wait_dma2 semaphore(%arg8 : memref<!tpu.dma_semaphore, #tpu.memory_space<semaphore_mem>>) src(%dma_wait3A_389 : memref<16384xf32, #tpu.memory_space<hbm>>) dst(%dma_wait3A_387 : memref<16384xf32, #tpu.memory_space<vmem>>)
        } else {
        }
        %not3A_328 = arith.constant true
        %not3A_329 = arith.xori %eq3A_303, %not3A_328 : i1
        %convert_element_type3A_330 = arith.extui %not3A_329 : i1 to i32
        %cond3A_331 = arith.constant 0 : i32
        %cond3A_332 = arith.cmpi ne, %convert_element_type3A_330, %cond3A_331 : i32
        scf.if %cond3A_332 {
          %jit3A_341 = arith.constant 2 : i32
          %div3A_342 = arith.divsi %scan3A_298, %jit3A_341 : i32
          %sign3A_343 = arith.constant 0 : i32
          %sign3A_344 = arith.cmpi sgt, %scan3A_298, %sign3A_343 : i32
          %sign3A_345 = arith.extui %sign3A_344 : i1 to i32
          %sign3A_346 = arith.constant 0 : i32
          %sign3A_347 = arith.cmpi slt, %scan3A_298, %sign3A_346 : i32
          %sign3A_348 = arith.extui %sign3A_347 : i1 to i32
          %sign3A_349 = arith.subi %sign3A_345, %sign3A_348 : i32
          %sign3A_350 = arith.constant 0 : i32
          %sign3A_351 = arith.cmpi sgt, %jit3A_341, %sign3A_350 : i32
          %sign3A_352 = arith.extui %sign3A_351 : i1 to i32
          %sign3A_353 = arith.constant 0 : i32
          %sign3A_354 = arith.cmpi slt, %jit3A_341, %sign3A_353 : i32
          %sign3A_355 = arith.extui %sign3A_354 : i1 to i32
          %sign3A_356 = arith.subi %sign3A_352, %sign3A_355 : i32
          %ne3A_357 = arith.cmpi ne, %sign3A_349, %sign3A_356 : i32
          %rem3A_358 = arith.remsi %scan3A_298, %jit3A_341 : i32
          %ne3A_359 = arith.constant 0 : i32
          %ne3A_360 = arith.cmpi ne, %rem3A_358, %ne3A_359 : i32
          %and3A_361 = arith.andi %ne3A_357, %ne3A_360 : i1
          %sub3A_362 = arith.constant 1 : i32
          %sub3A_363 = arith.subi %div3A_342, %sub3A_362 : i32
          %select_n3A_364 = arith.select %and3A_361, %sub3A_363, %div3A_342 : i32
          %jit3A_365 = arith.constant 2 : i32
          %eq3A_366 = arith.constant 0 : i32
          %eq3A_367 = arith.cmpi eq, %jit3A_365, %eq3A_366 : i32
          %jit3A_368 = arith.constant 1 : i32
          %select_n3A_369 = arith.select %eq3A_367, %jit3A_368, %jit3A_365 : i32
          %rem3A_370 = arith.remsi %scan3A_298, %select_n3A_369 : i32
          %ne3A_371 = arith.constant 0 : i32
          %ne3A_372 = arith.cmpi ne, %rem3A_370, %ne3A_371 : i32
          %lt3A_373 = arith.constant 0 : i32
          %lt3A_374 = arith.cmpi slt, %rem3A_370, %lt3A_373 : i32
          %lt3A_375 = arith.constant 0 : i32
          %lt3A_376 = arith.cmpi slt, %select_n3A_369, %lt3A_375 : i32
          %ne3A_377 = arith.xori %lt3A_374, %lt3A_376 : i1
          %and3A_378 = arith.andi %ne3A_377, %ne3A_372 : i1
          %add3A_379 = arith.addi %rem3A_370, %select_n3A_369 : i32
          %select_n3A_380 = arith.select %and3A_378, %add3A_379, %rem3A_370 : i32
          %mul3A_381 = arith.constant 16384 : i32
          %mul3A_382 = arith.muli %select_n3A_380, %mul3A_381 : i32
          %dma_wait3A = arith.constant 16384 : i32
          %dma_wait3A_383 = tpu.memref_slice %arg4[%dma_wait3A] : memref<32768xf32, #tpu.memory_space<vmem>> -> memref<16384xf32, #tpu.memory_space<vmem>>
          %dma_wait3A_384 = tpu.memref_slice %arg2[%add3A_20, %select_n3A_364, %mul3A_382] : memref<128x8x32768xf32, #tpu.memory_space<hbm>> -> memref<1x1x16384xf32, #tpu.memory_space<hbm>>
          %dma_wait3A_385 = tpu.memref_squeeze %dma_wait3A_384 : memref<1x1x16384xf32, #tpu.memory_space<hbm>> -> memref<16384xf32, #tpu.memory_space<hbm>>
          %dma_wait3A_386 = arith.constant 16384 : i32
          %dma_wait3A_387 = tpu.memref_slice %arg4[%dma_wait3A_386] : memref<32768xf32, #tpu.memory_space<vmem>> -> memref<16384xf32, #tpu.memory_space<vmem>>
          %dma_wait3A_388 = tpu.memref_slice %arg2[%add3A_20, %select_n3A_364, %mul3A_382] : memref<128x8x32768xf32, #tpu.memory_space<hbm>> -> memref<1x1x16384xf32, #tpu.memory_space<hbm>>
          %dma_wait3A_389 = tpu.memref_squeeze %dma_wait3A_388 : memref<1x1x16384xf32, #tpu.memory_space<hbm>> -> memref<16384xf32, #tpu.memory_space<hbm>>
          tpu.wait_dma2 semaphore(%arg9 : memref<!tpu.dma_semaphore, #tpu.memory_space<semaphore_mem>>) src(%dma_wait3A_389 : memref<16384xf32, #tpu.memory_space<hbm>>) dst(%dma_wait3A_387 : memref<16384xf32, #tpu.memory_space<vmem>>)
        } else {
        }
        %rem3A_333 = arith.constant 2 : i32
        %rem3A_334 = arith.remsi %scan3A_298, %rem3A_333 : i32
        %mul3A_335 = arith.constant 16384 : i32
        %mul3A_336 = arith.muli %rem3A_334, %mul3A_335 : i32
        %parallel_loop3A_337 = arith.constant 0 : i32
        %parallel_loop3A_338 = arith.constant 1024 : i32
        %parallel_loop3A_339 = arith.constant 1 : i32
        scf.for %parallel_loop3A_341 = %parallel_loop3A_337 to %parallel_loop3A_338 step %parallel_loop3A_339  : i32 {
          %parallel_loop3A_342 = arith.constant 16 : i32
          %parallel_loop3A_343 = arith.muli %parallel_loop3A_341, %parallel_loop3A_342 : i32
          %parallel_loop3A_344 = arith.addi %mul3A_336, %parallel_loop3A_343 : i32
          %parallel_loop3A_345 = arith.index_cast %parallel_loop3A_344 : i32 to index
          %parallel_loop3A_346 = tpu.vector_load %arg4[%parallel_loop3A_345] {strides = array<i32>} : memref<32768xf32, #tpu.memory_space<vmem>>, vector<16xf32>,
          %parallel_loop3A_347 = vector.bitcast %parallel_loop3A_346 : vector<16xf32> to vector<16xi32>
          %parallel_loop3A_348 = arith.constant 31 : i32
          %parallel_loop3A_349 = vector.broadcast %parallel_loop3A_348 : i32 to vector<16xi32>
          %parallel_loop3A_350 = arith.shrsi %parallel_loop3A_347, %parallel_loop3A_349 : vector<16xi32>
          %parallel_loop3A_351 = arith.constant -2147483648 : i32
          %parallel_loop3A_352 = vector.broadcast %parallel_loop3A_351 : i32 to vector<16xi32>
          %parallel_loop3A_353 = arith.ori %parallel_loop3A_352, %parallel_loop3A_350 : vector<16xi32>
          %parallel_loop3A_354 = arith.xori %parallel_loop3A_347, %parallel_loop3A_353 : vector<16xi32>
          %parallel_loop3A_355 = arith.constant 16 : i32
          %parallel_loop3A_356 = vector.broadcast %parallel_loop3A_355 : i32 to vector<16xi32>
          %parallel_loop3A_357 = arith.shrui %parallel_loop3A_354, %parallel_loop3A_356 : vector<16xi32>
          tpu.vector_store_idx %arg5[%parallel_loop3A_357], %broadcast_in_dim3A_3 {add = true} : memref<65536xi32, #tpu.memory_space<vmem>>[vector<16xi32>], vector<16xi32>,
        } {sc.loop_unroll_factor = 16 : i64, sc.parallel_access}
        %scan3A_340 = arith.constant 0 : i32
        scf.yield %scan3A_340 : i32
      }
      %scan3A_68 = arith.constant 16 : i32
      %broadcast_in_dim3A_69 = arith.constant 0 : i32
      %broadcast_in_dim3A_70 = vector.broadcast %broadcast_in_dim3A_69 : i32 to vector<16xi32>
      %iota3A_71 = tpu.iota {dimensions = array<i32: 0>} : vector<16xi32>
      %parallel_loop3A_72 = arith.constant 0 : i32
      %parallel_loop3A_73 = arith.constant 256 : i32
      %parallel_loop3A_74 = arith.constant 1 : i32
      scf.for %parallel_loop3A_298 = %parallel_loop3A_72 to %parallel_loop3A_73 step %parallel_loop3A_74  : i32 {
        %parallel_loop3A_299 = arith.constant 16 : i32
        %parallel_loop3A_300 = arith.muli %parallel_loop3A_298, %parallel_loop3A_299 : i32
        %parallel_loop3A_301 = arith.constant 0 : i32
        %parallel_loop3A_302 = arith.addi %parallel_loop3A_300, %parallel_loop3A_301 : i32
        %parallel_loop3A_303 = arith.constant 16 : i32
        %parallel_loop3A_304 = arith.muli %parallel_loop3A_302, %parallel_loop3A_303 : i32
        %parallel_loop3A_305 = arith.index_cast %parallel_loop3A_304 : i32 to index
        %parallel_loop3A_306 = tpu.vector_load %arg5[%parallel_loop3A_305] {strides = array<i32>} : memref<65536xi32, #tpu.memory_space<vmem>>, vector<16xi32>,
        %parallel_loop3A_307 = arith.addi %broadcast_in_dim3A_70, %parallel_loop3A_306 : vector<16xi32>
        %parallel_loop3A_308 = arith.constant 16 : i32
        %parallel_loop3A_309 = arith.muli %parallel_loop3A_298, %parallel_loop3A_308 : i32
        %parallel_loop3A_310 = arith.constant 1 : i32
        %parallel_loop3A_311 = arith.addi %parallel_loop3A_309, %parallel_loop3A_310 : i32
        %parallel_loop3A_312 = arith.constant 16 : i32
        %parallel_loop3A_313 = arith.muli %parallel_loop3A_311, %parallel_loop3A_312 : i32
        %parallel_loop3A_314 = arith.index_cast %parallel_loop3A_313 : i32 to index
        %parallel_loop3A_315 = tpu.vector_load %arg5[%parallel_loop3A_314] {strides = array<i32>} : memref<65536xi32, #tpu.memory_space<vmem>>, vector<16xi32>,
        %parallel_loop3A_316 = arith.addi %parallel_loop3A_307, %parallel_loop3A_315 : vector<16xi32>
        %parallel_loop3A_317 = arith.constant 16 : i32
        %parallel_loop3A_318 = arith.muli %parallel_loop3A_298, %parallel_loop3A_317 : i32
        %parallel_loop3A_319 = arith.constant 2 : i32
        %parallel_loop3A_320 = arith.addi %parallel_loop3A_318, %parallel_loop3A_319 : i32
        %parallel_loop3A_321 = arith.constant 16 : i32
        %parallel_loop3A_322 = arith.muli %parallel_loop3A_320, %parallel_loop3A_321 : i32
        %parallel_loop3A_323 = arith.index_cast %parallel_loop3A_322 : i32 to index
        %parallel_loop3A_324 = tpu.vector_load %arg5[%parallel_loop3A_323] {strides = array<i32>} : memref<65536xi32, #tpu.memory_space<vmem>>, vector<16xi32>,
        %parallel_loop3A_325 = arith.addi %parallel_loop3A_316, %parallel_loop3A_324 : vector<16xi32>
        %parallel_loop3A_326 = arith.constant 16 : i32
        %parallel_loop3A_327 = arith.muli %parallel_loop3A_298, %parallel_loop3A_326 : i32
        %parallel_loop3A_328 = arith.constant 3 : i32
        %parallel_loop3A_329 = arith.addi %parallel_loop3A_327, %parallel_loop3A_328 : i32
        %parallel_loop3A_330 = arith.constant 16 : i32
        %parallel_loop3A_331 = arith.muli %parallel_loop3A_329, %parallel_loop3A_330 : i32
        %parallel_loop3A_332 = arith.index_cast %parallel_loop3A_331 : i32 to index
        %parallel_loop3A_333 = tpu.vector_load %arg5[%parallel_loop3A_332] {strides = array<i32>} : memref<65536xi32, #tpu.memory_space<vmem>>, vector<16xi32>,
        %parallel_loop3A_334 = arith.addi %parallel_loop3A_325, %parallel_loop3A_333 : vector<16xi32>
        %parallel_loop3A_335 = arith.constant 16 : i32
        %parallel_loop3A_336 = arith.muli %parallel_loop3A_298, %parallel_loop3A_335 : i32
        %parallel_loop3A_337 = arith.constant 4 : i32
        %parallel_loop3A_338 = arith.addi %parallel_loop3A_336, %parallel_loop3A_337 : i32
        %parallel_loop3A_339 = arith.constant 16 : i32
        %parallel_loop3A_340 = arith.muli %parallel_loop3A_338, %parallel_loop3A_339 : i32
        %parallel_loop3A_341 = arith.index_cast %parallel_loop3A_340 : i32 to index
        %parallel_loop3A_342 = tpu.vector_load %arg5[%parallel_loop3A_341] {strides = array<i32>} : memref<65536xi32, #tpu.memory_space<vmem>>, vector<16xi32>,
        %parallel_loop3A_343 = arith.addi %parallel_loop3A_334, %parallel_loop3A_342 : vector<16xi32>
        %parallel_loop3A_344 = arith.constant 16 : i32
        %parallel_loop3A_345 = arith.muli %parallel_loop3A_298, %parallel_loop3A_344 : i32
        %parallel_loop3A_346 = arith.constant 5 : i32
        %parallel_loop3A_347 = arith.addi %parallel_loop3A_345, %parallel_loop3A_346 : i32
        %parallel_loop3A_348 = arith.constant 16 : i32
        %parallel_loop3A_349 = arith.muli %parallel_loop3A_347, %parallel_loop3A_348 : i32
        %parallel_loop3A_350 = arith.index_cast %parallel_loop3A_349 : i32 to index
        %parallel_loop3A_351 = tpu.vector_load %arg5[%parallel_loop3A_350] {strides = array<i32>} : memref<65536xi32, #tpu.memory_space<vmem>>, vector<16xi32>,
        %parallel_loop3A_352 = arith.addi %parallel_loop3A_343, %parallel_loop3A_351 : vector<16xi32>
        %parallel_loop3A_353 = arith.constant 16 : i32
        %parallel_loop3A_354 = arith.muli %parallel_loop3A_298, %parallel_loop3A_353 : i32
        %parallel_loop3A_355 = arith.constant 6 : i32
        %parallel_loop3A_356 = arith.addi %parallel_loop3A_354, %parallel_loop3A_355 : i32
        %parallel_loop3A_357 = arith.constant 16 : i32
        %parallel_loop3A_358 = arith.muli %parallel_loop3A_356, %parallel_loop3A_357 : i32
        %parallel_loop3A_359 = arith.index_cast %parallel_loop3A_358 : i32 to index
        %parallel_loop3A_360 = tpu.vector_load %arg5[%parallel_loop3A_359] {strides = array<i32>} : memref<65536xi32, #tpu.memory_space<vmem>>, vector<16xi32>,
        %parallel_loop3A_361 = arith.addi %parallel_loop3A_352, %parallel_loop3A_360 : vector<16xi32>
        %parallel_loop3A_362 = arith.constant 16 : i32
        %parallel_loop3A_363 = arith.muli %parallel_loop3A_298, %parallel_loop3A_362 : i32
        %parallel_loop3A_364 = arith.constant 7 : i32
        %parallel_loop3A_365 = arith.addi %parallel_loop3A_363, %parallel_loop3A_364 : i32
        %parallel_loop3A_366 = arith.constant 16 : i32
        %parallel_loop3A_367 = arith.muli %parallel_loop3A_365, %parallel_loop3A_366 : i32
        %parallel_loop3A_368 = arith.index_cast %parallel_loop3A_367 : i32 to index
        %parallel_loop3A_369 = tpu.vector_load %arg5[%parallel_loop3A_368] {strides = array<i32>} : memref<65536xi32, #tpu.memory_space<vmem>>, vector<16xi32>,
        %parallel_loop3A_370 = arith.addi %parallel_loop3A_361, %parallel_loop3A_369 : vector<16xi32>
        %parallel_loop3A_371 = arith.constant 16 : i32
        %parallel_loop3A_372 = arith.muli %parallel_loop3A_298, %parallel_loop3A_371 : i32
        %parallel_loop3A_373 = arith.constant 8 : i32
        %parallel_loop3A_374 = arith.addi %parallel_loop3A_372, %parallel_loop3A_373 : i32
        %parallel_loop3A_375 = arith.constant 16 : i32
        %parallel_loop3A_376 = arith.muli %parallel_loop3A_374, %parallel_loop3A_375 : i32
        %parallel_loop3A_377 = arith.index_cast %parallel_loop3A_376 : i32 to index
        %parallel_loop3A_378 = tpu.vector_load %arg5[%parallel_loop3A_377] {strides = array<i32>} : memref<65536xi32, #tpu.memory_space<vmem>>, vector<16xi32>,
        %parallel_loop3A_379 = arith.addi %parallel_loop3A_370, %parallel_loop3A_378 : vector<16xi32>
        %parallel_loop3A_380 = arith.constant 16 : i32
        %parallel_loop3A_381 = arith.muli %parallel_loop3A_298, %parallel_loop3A_380 : i32
        %parallel_loop3A_382 = arith.constant 9 : i32
        %parallel_loop3A_383 = arith.addi %parallel_loop3A_381, %parallel_loop3A_382 : i32
        %parallel_loop3A_384 = arith.constant 16 : i32
        %parallel_loop3A_385 = arith.muli %parallel_loop3A_383, %parallel_loop3A_384 : i32
        %parallel_loop3A_386 = arith.index_cast %parallel_loop3A_385 : i32 to index
        %parallel_loop3A_387 = tpu.vector_load %arg5[%parallel_loop3A_386] {strides = array<i32>} : memref<65536xi32, #tpu.memory_space<vmem>>, vector<16xi32>,
        %parallel_loop3A_388 = arith.addi %parallel_loop3A_379, %parallel_loop3A_387 : vector<16xi32>
        %parallel_loop3A_389 = arith.constant 16 : i32
        %parallel_loop3A_390 = arith.muli %parallel_loop3A_298, %parallel_loop3A_389 : i32
        %parallel_loop3A_391 = arith.constant 10 : i32
        %parallel_loop3A_392 = arith.addi %parallel_loop3A_390, %parallel_loop3A_391 : i32
        %parallel_loop3A_393 = arith.constant 16 : i32
        %parallel_loop3A_394 = arith.muli %parallel_loop3A_392, %parallel_loop3A_393 : i32
        %parallel_loop3A_395 = arith.index_cast %parallel_loop3A_394 : i32 to index
        %parallel_loop3A_396 = tpu.vector_load %arg5[%parallel_loop3A_395] {strides = array<i32>} : memref<65536xi32, #tpu.memory_space<vmem>>, vector<16xi32>,
        %parallel_loop3A_397 = arith.addi %parallel_loop3A_388, %parallel_loop3A_396 : vector<16xi32>
        %parallel_loop3A_398 = arith.constant 16 : i32
        %parallel_loop3A_399 = arith.muli %parallel_loop3A_298, %parallel_loop3A_398 : i32
        %parallel_loop3A_400 = arith.constant 11 : i32
        %parallel_loop3A_401 = arith.addi %parallel_loop3A_399, %parallel_loop3A_400 : i32
        %parallel_loop3A_402 = arith.constant 16 : i32
        %parallel_loop3A_403 = arith.muli %parallel_loop3A_401, %parallel_loop3A_402 : i32
        %parallel_loop3A_404 = arith.index_cast %parallel_loop3A_403 : i32 to index
        %parallel_loop3A_405 = tpu.vector_load %arg5[%parallel_loop3A_404] {strides = array<i32>} : memref<65536xi32, #tpu.memory_space<vmem>>, vector<16xi32>,
        %parallel_loop3A_406 = arith.addi %parallel_loop3A_397, %parallel_loop3A_405 : vector<16xi32>
        %parallel_loop3A_407 = arith.constant 16 : i32
        %parallel_loop3A_408 = arith.muli %parallel_loop3A_298, %parallel_loop3A_407 : i32
        %parallel_loop3A_409 = arith.constant 12 : i32
        %parallel_loop3A_410 = arith.addi %parallel_loop3A_408, %parallel_loop3A_409 : i32
        %parallel_loop3A_411 = arith.constant 16 : i32
        %parallel_loop3A_412 = arith.muli %parallel_loop3A_410, %parallel_loop3A_411 : i32
        %parallel_loop3A_413 = arith.index_cast %parallel_loop3A_412 : i32 to index
        %parallel_loop3A_414 = tpu.vector_load %arg5[%parallel_loop3A_413] {strides = array<i32>} : memref<65536xi32, #tpu.memory_space<vmem>>, vector<16xi32>,
        %parallel_loop3A_415 = arith.addi %parallel_loop3A_406, %parallel_loop3A_414 : vector<16xi32>
        %parallel_loop3A_416 = arith.constant 16 : i32
        %parallel_loop3A_417 = arith.muli %parallel_loop3A_298, %parallel_loop3A_416 : i32
        %parallel_loop3A_418 = arith.constant 13 : i32
        %parallel_loop3A_419 = arith.addi %parallel_loop3A_417, %parallel_loop3A_418 : i32
        %parallel_loop3A_420 = arith.constant 16 : i32
        %parallel_loop3A_421 = arith.muli %parallel_loop3A_419, %parallel_loop3A_420 : i32
        %parallel_loop3A_422 = arith.index_cast %parallel_loop3A_421 : i32 to index
        %parallel_loop3A_423 = tpu.vector_load %arg5[%parallel_loop3A_422] {strides = array<i32>} : memref<65536xi32, #tpu.memory_space<vmem>>, vector<16xi32>,
        %parallel_loop3A_424 = arith.addi %parallel_loop3A_415, %parallel_loop3A_423 : vector<16xi32>
        %parallel_loop3A_425 = arith.constant 16 : i32
        %parallel_loop3A_426 = arith.muli %parallel_loop3A_298, %parallel_loop3A_425 : i32
        %parallel_loop3A_427 = arith.constant 14 : i32
        %parallel_loop3A_428 = arith.addi %parallel_loop3A_426, %parallel_loop3A_427 : i32
        %parallel_loop3A_429 = arith.constant 16 : i32
        %parallel_loop3A_430 = arith.muli %parallel_loop3A_428, %parallel_loop3A_429 : i32
        %parallel_loop3A_431 = arith.index_cast %parallel_loop3A_430 : i32 to index
        %parallel_loop3A_432 = tpu.vector_load %arg5[%parallel_loop3A_431] {strides = array<i32>} : memref<65536xi32, #tpu.memory_space<vmem>>, vector<16xi32>,
        %parallel_loop3A_433 = arith.addi %parallel_loop3A_424, %parallel_loop3A_432 : vector<16xi32>
        %parallel_loop3A_434 = arith.constant 16 : i32
        %parallel_loop3A_435 = arith.muli %parallel_loop3A_298, %parallel_loop3A_434 : i32
        %parallel_loop3A_436 = arith.constant 15 : i32
        %parallel_loop3A_437 = arith.addi %parallel_loop3A_435, %parallel_loop3A_436 : i32
        %parallel_loop3A_438 = arith.constant 16 : i32
        %parallel_loop3A_439 = arith.muli %parallel_loop3A_437, %parallel_loop3A_438 : i32
        %parallel_loop3A_440 = arith.index_cast %parallel_loop3A_439 : i32 to index
        %parallel_loop3A_441 = tpu.vector_load %arg5[%parallel_loop3A_440] {strides = array<i32>} : memref<65536xi32, #tpu.memory_space<vmem>>, vector<16xi32>,
        %parallel_loop3A_442 = arith.addi %parallel_loop3A_433, %parallel_loop3A_441 : vector<16xi32>
        %parallel_loop3A_443 = arith.constant 16 : i32
        %parallel_loop3A_444 = arith.muli %parallel_loop3A_298, %parallel_loop3A_443 : i32
        %parallel_loop3A_445 = arith.index_cast %parallel_loop3A_444 : i32 to index
        %parallel_loop3A_446 = tpu.vector_load %arg6[%parallel_loop3A_445] {strides = array<i32>} : memref<4096xi32, #tpu.memory_space<vmem>>, vector<16xi32>,
        tpu.vector_store %arg6[%parallel_loop3A_445], %parallel_loop3A_442 {strides = array<i32>} : memref<4096xi32, #tpu.memory_space<vmem>>, vector<16xi32>,
      } {sc.loop_unroll_factor = 2 : i64, sc.parallel_access}
      %scan3A_75 = arith.constant 26214 : i32
      %scan3A_76 = arith.constant 0 : i32
      %scan3A_77 = arith.constant 0 : i32
      %scan3A_78 = arith.constant 0 : i32
      %scan3A_79 = arith.constant 0 : i32
      %scan3A_80 = arith.constant 16 : i32
      %scan3A_81 = arith.addi %scan3A_79, %scan3A_80 : i32
      %scan3A_82 = arith.constant 1 : i32
      %scan3A_83:3 = scf.for %scan3A_298 = %scan3A_79 to %scan3A_81 step %scan3A_82 iter_args(%scan3A_299 = %scan3A_76, %scan3A_300 = %scan3A_77, %scan3A_301 = %scan3A_78) -> (i32, i32, i32)  : i32 {
        %sub3A_302 = arith.constant 15 : i32
        %sub3A_303 = arith.subi %sub3A_302, %scan3A_298 : i32
        %scan3A_304 = arith.constant 0 : i32
        %scan3A_305 = arith.constant 16 : i32
        %scan3A_306 = arith.addi %scan3A_304, %scan3A_305 : i32
        %scan3A_307 = arith.constant 1 : i32
        %scan3A_308 = scf.for %scan3A_321 = %scan3A_304 to %scan3A_306 step %scan3A_307 iter_args(%scan3A_322 = %broadcast_in_dim3A_70) -> (vector<16xi32>)  : i32 {
          %mul3A_323 = arith.constant 16 : i32
          %mul3A_324 = arith.muli %sub3A_303, %mul3A_323 : i32
          %add3A_325 = arith.addi %mul3A_324, %scan3A_321 : i32
          %mul3A_326 = arith.constant 16 : i32
          %mul3A_327 = arith.muli %add3A_325, %mul3A_326 : i32
          %get3A_328 = arith.index_cast %mul3A_327 : i32 to index
          %get3A_329 = tpu.vector_load %arg6[%get3A_328] {strides = array<i32>} : memref<4096xi32, #tpu.memory_space<vmem>>, vector<16xi32>,
          %add3A_330 = arith.addi %scan3A_322, %get3A_329 : vector<16xi32>
          scf.yield %add3A_330 : vector<16xi32>
        }
        %scan3A_309 = arith.constant 16 : i32
        %reduce_sum3A_310 = arith.constant true
        %reduce_sum3A_311 = vector.broadcast %reduce_sum3A_310 : i1 to vector<16xi1>
        %reduce_sum3A_312 = tpu.scan <sum>, %scan3A_308 masked %reduce_sum3A_311 : vector<16xi32>, vector<16xi1> -> vector<16xi32>
        %reduce_sum3A_313 = vector.extract %reduce_sum3A_312[15] : i32 from vector<16xi32>
        %lt3A_314 = arith.cmpi slt, %scan3A_299, %scan3A_75 : i32
        %add3A_315 = arith.addi %scan3A_299, %reduce_sum3A_313 : i32
        %ge3A_316 = arith.cmpi sge, %add3A_315, %scan3A_75 : i32
        %and3A_317 = arith.andi %lt3A_314, %ge3A_316 : i1
        %select_n3A_318 = arith.select %and3A_317, %sub3A_303, %scan3A_300 : i32
        %select_n3A_319 = arith.select %and3A_317, %scan3A_299, %scan3A_301 : i32
        %add3A_320 = arith.addi %scan3A_299, %reduce_sum3A_313 : i32
        scf.yield %add3A_320, %select_n3A_318, %select_n3A_319 : i32, i32, i32
      }
      %scan3A_84 = arith.constant 16 : i32
      %sub3A_85 = arith.constant 26214 : i32
      %sub3A_86 = arith.subi %sub3A_85, %scan3A_83#2 : i32
      %scan3A_87 = arith.constant 0 : i32
      %scan3A_88 = arith.constant 0 : i32
      %scan3A_89 = arith.constant 0 : i32
      %scan3A_90 = arith.constant 0 : i32
      %scan3A_91 = arith.constant 16 : i32
      %scan3A_92 = arith.addi %scan3A_90, %scan3A_91 : i32
      %scan3A_93 = arith.constant 1 : i32
      %scan3A_94:3 = scf.for %scan3A_298 = %scan3A_90 to %scan3A_92 step %scan3A_93 iter_args(%scan3A_299 = %scan3A_87, %scan3A_300 = %scan3A_88, %scan3A_301 = %scan3A_89) -> (i32, i32, i32)  : i32 {
        %sub3A_302 = arith.constant 15 : i32
        %sub3A_303 = arith.subi %sub3A_302, %scan3A_298 : i32
        %mul3A_304 = arith.constant 16 : i32
        %mul3A_305 = arith.muli %scan3A_83#1, %mul3A_304 : i32
        %add3A_306 = arith.addi %mul3A_305, %sub3A_303 : i32
        %mul3A_307 = arith.constant 16 : i32
        %mul3A_308 = arith.muli %add3A_306, %mul3A_307 : i32
        %get3A_309 = arith.index_cast %mul3A_308 : i32 to index
        %get3A_310 = tpu.vector_load %arg6[%get3A_309] {strides = array<i32>} : memref<4096xi32, #tpu.memory_space<vmem>>, vector<16xi32>,
        %reduce_sum3A_311 = arith.constant true
        %reduce_sum3A_312 = vector.broadcast %reduce_sum3A_311 : i1 to vector<16xi1>
        %reduce_sum3A_313 = tpu.scan <sum>, %get3A_310 masked %reduce_sum3A_312 : vector<16xi32>, vector<16xi1> -> vector<16xi32>
        %reduce_sum3A_314 = vector.extract %reduce_sum3A_313[15] : i32 from vector<16xi32>
        %lt3A_315 = arith.cmpi slt, %scan3A_299, %sub3A_86 : i32
        %add3A_316 = arith.addi %scan3A_299, %reduce_sum3A_314 : i32
        %ge3A_317 = arith.cmpi sge, %add3A_316, %sub3A_86 : i32
        %and3A_318 = arith.andi %lt3A_315, %ge3A_317 : i1
        %select_n3A_319 = arith.select %and3A_318, %sub3A_303, %scan3A_300 : i32
        %select_n3A_320 = arith.select %and3A_318, %scan3A_299, %scan3A_301 : i32
        %add3A_321 = arith.addi %scan3A_299, %reduce_sum3A_314 : i32
        scf.yield %add3A_321, %select_n3A_319, %select_n3A_320 : i32, i32, i32
      }
      %scan3A_95 = arith.constant 16 : i32
      %sub3A_96 = arith.subi %sub3A_86, %scan3A_94#2 : i32
      %mul3A_97 = arith.constant 16 : i32
      %mul3A_98 = arith.muli %scan3A_83#1, %mul3A_97 : i32
      %add3A_99 = arith.addi %mul3A_98, %scan3A_94#1 : i32
      %scan3A_100 = arith.constant 0 : i32
      %scan3A_101 = arith.constant 0 : i32
      %scan3A_102 = arith.constant 0 : i32
      %scan3A_103 = arith.constant 0 : i32
      %scan3A_104 = arith.constant 16 : i32
      %scan3A_105 = arith.addi %scan3A_103, %scan3A_104 : i32
      %scan3A_106 = arith.constant 1 : i32
      %scan3A_107:3 = scf.for %scan3A_298 = %scan3A_103 to %scan3A_105 step %scan3A_106 iter_args(%scan3A_299 = %scan3A_100, %scan3A_300 = %scan3A_101, %scan3A_301 = %scan3A_102) -> (i32, i32, i32)  : i32 {
        %sub3A_302 = arith.constant 15 : i32
        %sub3A_303 = arith.subi %sub3A_302, %scan3A_298 : i32
        %mul3A_304 = arith.constant 16 : i32
        %mul3A_305 = arith.muli %add3A_99, %mul3A_304 : i32
        %add3A_306 = arith.addi %mul3A_305, %sub3A_303 : i32
        %mul3A_307 = arith.constant 16 : i32
        %mul3A_308 = arith.muli %add3A_306, %mul3A_307 : i32
        %get3A_309 = arith.index_cast %mul3A_308 : i32 to index
        %get3A_310 = tpu.vector_load %arg5[%get3A_309] {strides = array<i32>} : memref<65536xi32, #tpu.memory_space<vmem>>, vector<16xi32>,
        %reduce_sum3A_311 = arith.constant true
        %reduce_sum3A_312 = vector.broadcast %reduce_sum3A_311 : i1 to vector<16xi1>
        %reduce_sum3A_313 = tpu.scan <sum>, %get3A_310 masked %reduce_sum3A_312 : vector<16xi32>, vector<16xi1> -> vector<16xi32>
        %reduce_sum3A_314 = vector.extract %reduce_sum3A_313[15] : i32 from vector<16xi32>
        %lt3A_315 = arith.cmpi slt, %scan3A_299, %sub3A_96 : i32
        %add3A_316 = arith.addi %scan3A_299, %reduce_sum3A_314 : i32
        %ge3A_317 = arith.cmpi sge, %add3A_316, %sub3A_96 : i32
        %and3A_318 = arith.andi %lt3A_315, %ge3A_317 : i1
        %select_n3A_319 = arith.select %and3A_318, %sub3A_303, %scan3A_300 : i32
        %select_n3A_320 = arith.select %and3A_318, %scan3A_299, %scan3A_301 : i32
        %add3A_321 = arith.addi %scan3A_299, %reduce_sum3A_314 : i32
        scf.yield %add3A_321, %select_n3A_319, %select_n3A_320 : i32, i32, i32
      }
      %scan3A_108 = arith.constant 16 : i32
      %sub3A_109 = arith.subi %sub3A_96, %scan3A_107#2 : i32
      %mul3A_110 = arith.constant 16 : i32
      %mul3A_111 = arith.muli %add3A_99, %mul3A_110 : i32
      %add3A_112 = arith.addi %mul3A_111, %scan3A_107#1 : i32
      %mul3A_113 = arith.constant 16 : i32
      %mul3A_114 = arith.muli %add3A_112, %mul3A_113 : i32
      %get3A = arith.index_cast %mul3A_114 : i32 to index
      %get3A_115 = tpu.vector_load %arg5[%get3A] {strides = array<i32>} : memref<65536xi32, #tpu.memory_space<vmem>>, vector<16xi32>,
      %rev3A = arith.constant 15 : i32
      %rev3A_116 = vector.broadcast %rev3A : i32 to vector<16xi32>
      %rev3A_117 = tpu.iota {dimensions = array<i32: 0>} : vector<16xi32>
      %rev3A_118 = arith.subi %rev3A_116, %rev3A_117 : vector<16xi32>
      %rev3A_119 = tpu.dynamic_gather %get3A_115[%rev3A_118] in [0] : vector<16xi32>, vector<16xi32> -> vector<16xi32>
      %cumsum3A = arith.constant true
      %cumsum3A_120 = vector.broadcast %cumsum3A : i1 to vector<16xi1>
      %cumsum3A_121 = tpu.scan <sum>, %rev3A_119 masked %cumsum3A_120 : vector<16xi32>, vector<16xi1> -> vector<16xi32>
      %ge3A = vector.broadcast %sub3A_109 : i32 to vector<16xi32>
      %ge3A_122 = arith.cmpi sge, %cumsum3A_121, %ge3A : vector<16xi32>
      %convert_element_type3A = arith.extui %ge3A_122 : vector<16xi1> to vector<16xi32>
      %reduce_sum3A = arith.constant true
      %reduce_sum3A_123 = vector.broadcast %reduce_sum3A : i1 to vector<16xi1>
      %reduce_sum3A_124 = tpu.scan <sum>, %convert_element_type3A masked %reduce_sum3A_123 : vector<16xi32>, vector<16xi1> -> vector<16xi32>
      %reduce_sum3A_125 = vector.extract %reduce_sum3A_124[15] : i32 from vector<16xi32>
      %sub3A_126 = arith.constant 16 : i32
      %sub3A_127 = arith.subi %sub3A_126, %reduce_sum3A_125 : i32
      %sub3A_128 = arith.constant 15 : i32
      %sub3A_129 = arith.subi %sub3A_128, %sub3A_127 : i32
      %lt3A_130 = vector.broadcast %sub3A_127 : i32 to vector<16xi32>
      %lt3A_131 = arith.cmpi slt, %iota3A_71, %lt3A_130 : vector<16xi32>
      %jit3A_132 = arith.constant 0 : i32
      %broadcast_in_dim3A_133 = vector.broadcast %jit3A_132 : i32 to vector<16xi32>
      %select_n3A_134 = arith.select %lt3A_131, %rev3A_119, %broadcast_in_dim3A_133 : vector<16xi1>, vector<16xi32>
      %reduce_sum3A_135 = arith.constant true
      %reduce_sum3A_136 = vector.broadcast %reduce_sum3A_135 : i1 to vector<16xi1>
      %reduce_sum3A_137 = tpu.scan <sum>, %select_n3A_134 masked %reduce_sum3A_136 : vector<16xi32>, vector<16xi1> -> vector<16xi32>
      %reduce_sum3A_138 = vector.extract %reduce_sum3A_137[15] : i32 from vector<16xi32>
      %mul3A_139 = arith.constant 16 : i32
      %mul3A_140 = arith.muli %add3A_112, %mul3A_139 : i32
      %add3A_141 = arith.addi %mul3A_140, %sub3A_129 : i32
      %sub3A_142 = arith.subi %sub3A_109, %reduce_sum3A_138 : i32
      %parallel_loop3A_143 = arith.constant 0 : i32
      %parallel_loop3A_144 = arith.constant 4096 : i32
      %parallel_loop3A_145 = arith.constant 1 : i32
      scf.for %parallel_loop3A_298 = %parallel_loop3A_143 to %parallel_loop3A_144 step %parallel_loop3A_145  : i32 {
        %parallel_loop3A_299 = arith.constant 16 : i32
        %parallel_loop3A_300 = arith.muli %parallel_loop3A_298, %parallel_loop3A_299 : i32
        %parallel_loop3A_301 = arith.index_cast %parallel_loop3A_300 : i32 to index
        %parallel_loop3A_302 = tpu.vector_load %arg5[%parallel_loop3A_301] {strides = array<i32>} : memref<65536xi32, #tpu.memory_space<vmem>>, vector<16xi32>,
        tpu.vector_store %arg5[%parallel_loop3A_301], %broadcast_in_dim3A_5 {strides = array<i32>} : memref<65536xi32, #tpu.memory_space<vmem>>, vector<16xi32>,
      } {sc.loop_unroll_factor = 8 : i64, sc.parallel_access}
      %jit3A_146 = arith.constant 0 : i32
      %jit3A_147 = arith.constant 2 : i32
      %div3A_148 = arith.divsi %jit3A_146, %jit3A_147 : i32
      %sign3A_149 = arith.constant 0 : i32
      %sign3A_150 = arith.cmpi sgt, %jit3A_146, %sign3A_149 : i32
      %sign3A_151 = arith.extui %sign3A_150 : i1 to i32
      %sign3A_152 = arith.constant 0 : i32
      %sign3A_153 = arith.cmpi slt, %jit3A_146, %sign3A_152 : i32
      %sign3A_154 = arith.extui %sign3A_153 : i1 to i32
      %sign3A_155 = arith.subi %sign3A_151, %sign3A_154 : i32
      %sign3A_156 = arith.constant 0 : i32
      %sign3A_157 = arith.cmpi sgt, %jit3A_147, %sign3A_156 : i32
      %sign3A_158 = arith.extui %sign3A_157 : i1 to i32
      %sign3A_159 = arith.constant 0 : i32
      %sign3A_160 = arith.cmpi slt, %jit3A_147, %sign3A_159 : i32
      %sign3A_161 = arith.extui %sign3A_160 : i1 to i32
      %sign3A_162 = arith.subi %sign3A_158, %sign3A_161 : i32
      %ne3A_163 = arith.cmpi ne, %sign3A_155, %sign3A_162 : i32
      %rem3A_164 = arith.remsi %jit3A_146, %jit3A_147 : i32
      %ne3A_165 = arith.constant 0 : i32
      %ne3A_166 = arith.cmpi ne, %rem3A_164, %ne3A_165 : i32
      %and3A_167 = arith.andi %ne3A_163, %ne3A_166 : i1
      %sub3A_168 = arith.constant 1 : i32
      %sub3A_169 = arith.subi %div3A_148, %sub3A_168 : i32
      %select_n3A_170 = arith.select %and3A_167, %sub3A_169, %div3A_148 : i32
      %jit3A_171 = arith.constant 0 : i32
      %jit3A_172 = arith.constant 2 : i32
      %eq3A_173 = arith.constant 0 : i32
      %eq3A_174 = arith.cmpi eq, %jit3A_172, %eq3A_173 : i32
      %jit3A_175 = arith.constant 1 : i32
      %select_n3A_176 = arith.select %eq3A_174, %jit3A_175, %jit3A_172 : i32
      %rem3A_177 = arith.remsi %jit3A_171, %select_n3A_176 : i32
      %ne3A_178 = arith.constant 0 : i32
      %ne3A_179 = arith.cmpi ne, %rem3A_177, %ne3A_178 : i32
      %lt3A_180 = arith.constant 0 : i32
      %lt3A_181 = arith.cmpi slt, %rem3A_177, %lt3A_180 : i32
      %lt3A_182 = arith.constant 0 : i32
      %lt3A_183 = arith.cmpi slt, %select_n3A_176, %lt3A_182 : i32
      %ne3A_184 = arith.xori %lt3A_181, %lt3A_183 : i1
      %and3A_185 = arith.andi %ne3A_184, %ne3A_179 : i1
      %add3A_186 = arith.addi %rem3A_177, %select_n3A_176 : i32
      %select_n3A_187 = arith.select %and3A_185, %add3A_186, %rem3A_177 : i32
      %mul3A_188 = arith.constant 16384 : i32
      %mul3A_189 = arith.muli %select_n3A_187, %mul3A_188 : i32
      %dma_start3A_190 = arith.constant 0 : i32
      %dma_start3A_191 = tpu.memref_slice %arg4[%dma_start3A_190] : memref<32768xf32, #tpu.memory_space<vmem>> -> memref<16384xf32, #tpu.memory_space<vmem>>
      %dma_start3A_192 = tpu.memref_slice %arg2[%add3A_20, %select_n3A_170, %mul3A_189] : memref<128x8x32768xf32, #tpu.memory_space<hbm>> -> memref<1x1x16384xf32, #tpu.memory_space<hbm>>
      %dma_start3A_193 = tpu.memref_squeeze %dma_start3A_192 : memref<1x1x16384xf32, #tpu.memory_space<hbm>> -> memref<16384xf32, #tpu.memory_space<hbm>>
      %dma_start3A_194 = arith.constant 0 : i32
      %dma_start3A_195 = tpu.memref_slice %arg4[%dma_start3A_194] : memref<32768xf32, #tpu.memory_space<vmem>> -> memref<16384xf32, #tpu.memory_space<vmem>>
      %dma_start3A_196 = tpu.memref_slice %arg2[%add3A_20, %select_n3A_170, %mul3A_189] : memref<128x8x32768xf32, #tpu.memory_space<hbm>> -> memref<1x1x16384xf32, #tpu.memory_space<hbm>>
      %dma_start3A_197 = tpu.memref_squeeze %dma_start3A_196 : memref<1x1x16384xf32, #tpu.memory_space<hbm>> -> memref<16384xf32, #tpu.memory_space<hbm>>
      tpu.enqueue_dma source(%dma_start3A_197 : memref<16384xf32, #tpu.memory_space<hbm>>) target(%dma_start3A_195 : memref<16384xf32, #tpu.memory_space<vmem>>) target_semaphore(%arg8 : memref<!tpu.dma_semaphore, #tpu.memory_space<semaphore_mem>>)
      %scan3A_198 = arith.constant 0 : i32
      %scan3A_199 = arith.constant 0 : i32
      %scan3A_200 = arith.constant 16 : i32
      %scan3A_201 = arith.addi %scan3A_199, %scan3A_200 : i32
      %scan3A_202 = arith.constant 1 : i32
      %scan3A_203 = scf.for %scan3A_298 = %scan3A_199 to %scan3A_201 step %scan3A_202 iter_args(%scan3A_299 = %scan3A_198) -> (i32)  : i32 {
        %rem3A_300 = arith.constant 2 : i32
        %rem3A_301 = arith.remsi %scan3A_298, %rem3A_300 : i32
        %eq3A_302 = arith.constant 0 : i32
        %eq3A_303 = arith.cmpi eq, %rem3A_301, %eq3A_302 : i32
        %add3A_304 = arith.constant 1 : i32
        %add3A_305 = arith.addi %scan3A_298, %add3A_304 : i32
        %lt3A_306 = arith.constant 16 : i32
        %lt3A_307 = arith.cmpi slt, %add3A_305, %lt3A_306 : i32
        %rem3A_308 = arith.constant 2 : i32
        %rem3A_309 = arith.remsi %add3A_305, %rem3A_308 : i32
        %eq3A_310 = arith.constant 0 : i32
        %eq3A_311 = arith.cmpi eq, %rem3A_309, %eq3A_310 : i32
        %and3A_312 = arith.andi %lt3A_307, %eq3A_311 : i1
        %convert_element_type3A_313 = arith.extui %and3A_312 : i1 to i32
        %cond3A = arith.constant 0 : i32
        %cond3A_314 = arith.cmpi ne, %convert_element_type3A_313, %cond3A : i32
        scf.if %cond3A_314 {
          %jit3A_341 = arith.constant 2 : i32
          %div3A_342 = arith.divsi %add3A_305, %jit3A_341 : i32
          %sign3A_343 = arith.constant 0 : i32
          %sign3A_344 = arith.cmpi sgt, %add3A_305, %sign3A_343 : i32
          %sign3A_345 = arith.extui %sign3A_344 : i1 to i32
          %sign3A_346 = arith.constant 0 : i32
          %sign3A_347 = arith.cmpi slt, %add3A_305, %sign3A_346 : i32
          %sign3A_348 = arith.extui %sign3A_347 : i1 to i32
          %sign3A_349 = arith.subi %sign3A_345, %sign3A_348 : i32
          %sign3A_350 = arith.constant 0 : i32
          %sign3A_351 = arith.cmpi sgt, %jit3A_341, %sign3A_350 : i32
          %sign3A_352 = arith.extui %sign3A_351 : i1 to i32
          %sign3A_353 = arith.constant 0 : i32
          %sign3A_354 = arith.cmpi slt, %jit3A_341, %sign3A_353 : i32
          %sign3A_355 = arith.extui %sign3A_354 : i1 to i32
          %sign3A_356 = arith.subi %sign3A_352, %sign3A_355 : i32
          %ne3A_357 = arith.cmpi ne, %sign3A_349, %sign3A_356 : i32
          %rem3A_358 = arith.remsi %add3A_305, %jit3A_341 : i32
          %ne3A_359 = arith.constant 0 : i32
          %ne3A_360 = arith.cmpi ne, %rem3A_358, %ne3A_359 : i32
          %and3A_361 = arith.andi %ne3A_357, %ne3A_360 : i1
          %sub3A_362 = arith.constant 1 : i32
          %sub3A_363 = arith.subi %div3A_342, %sub3A_362 : i32
          %select_n3A_364 = arith.select %and3A_361, %sub3A_363, %div3A_342 : i32
          %jit3A_365 = arith.constant 2 : i32
          %eq3A_366 = arith.constant 0 : i32
          %eq3A_367 = arith.cmpi eq, %jit3A_365, %eq3A_366 : i32
          %jit3A_368 = arith.constant 1 : i32
          %select_n3A_369 = arith.select %eq3A_367, %jit3A_368, %jit3A_365 : i32
          %rem3A_370 = arith.remsi %add3A_305, %select_n3A_369 : i32
          %ne3A_371 = arith.constant 0 : i32
          %ne3A_372 = arith.cmpi ne, %rem3A_370, %ne3A_371 : i32
          %lt3A_373 = arith.constant 0 : i32
          %lt3A_374 = arith.cmpi slt, %rem3A_370, %lt3A_373 : i32
          %lt3A_375 = arith.constant 0 : i32
          %lt3A_376 = arith.cmpi slt, %select_n3A_369, %lt3A_375 : i32
          %ne3A_377 = arith.xori %lt3A_374, %lt3A_376 : i1
          %and3A_378 = arith.andi %ne3A_377, %ne3A_372 : i1
          %add3A_379 = arith.addi %rem3A_370, %select_n3A_369 : i32
          %select_n3A_380 = arith.select %and3A_378, %add3A_379, %rem3A_370 : i32
          %mul3A_381 = arith.constant 16384 : i32
          %mul3A_382 = arith.muli %select_n3A_380, %mul3A_381 : i32
          %dma_start3A_383 = arith.constant 0 : i32
          %dma_start3A_384 = tpu.memref_slice %arg4[%dma_start3A_383] : memref<32768xf32, #tpu.memory_space<vmem>> -> memref<16384xf32, #tpu.memory_space<vmem>>
          %dma_start3A_385 = tpu.memref_slice %arg2[%add3A_20, %select_n3A_364, %mul3A_382] : memref<128x8x32768xf32, #tpu.memory_space<hbm>> -> memref<1x1x16384xf32, #tpu.memory_space<hbm>>
          %dma_start3A_386 = tpu.memref_squeeze %dma_start3A_385 : memref<1x1x16384xf32, #tpu.memory_space<hbm>> -> memref<16384xf32, #tpu.memory_space<hbm>>
          %dma_start3A_387 = arith.constant 0 : i32
          %dma_start3A_388 = tpu.memref_slice %arg4[%dma_start3A_387] : memref<32768xf32, #tpu.memory_space<vmem>> -> memref<16384xf32, #tpu.memory_space<vmem>>
          %dma_start3A_389 = tpu.memref_slice %arg2[%add3A_20, %select_n3A_364, %mul3A_382] : memref<128x8x32768xf32, #tpu.memory_space<hbm>> -> memref<1x1x16384xf32, #tpu.memory_space<hbm>>
          %dma_start3A_390 = tpu.memref_squeeze %dma_start3A_389 : memref<1x1x16384xf32, #tpu.memory_space<hbm>> -> memref<16384xf32, #tpu.memory_space<hbm>>
          tpu.enqueue_dma source(%dma_start3A_390 : memref<16384xf32, #tpu.memory_space<hbm>>) target(%dma_start3A_388 : memref<16384xf32, #tpu.memory_space<vmem>>) target_semaphore(%arg8 : memref<!tpu.dma_semaphore, #tpu.memory_space<semaphore_mem>>)
        } else {
        }
        %lt3A_315 = arith.constant 16 : i32
        %lt3A_316 = arith.cmpi slt, %add3A_305, %lt3A_315 : i32
        %rem3A_317 = arith.constant 2 : i32
        %rem3A_318 = arith.remsi %add3A_305, %rem3A_317 : i32
        %eq3A_319 = arith.constant 1 : i32
        %eq3A_320 = arith.cmpi eq, %rem3A_318, %eq3A_319 : i32
        %and3A_321 = arith.andi %lt3A_316, %eq3A_320 : i1
        %convert_element_type3A_322 = arith.extui %and3A_321 : i1 to i32
        %cond3A_323 = arith.constant 0 : i32
        %cond3A_324 = arith.cmpi ne, %convert_element_type3A_322, %cond3A_323 : i32
        scf.if %cond3A_324 {
          %jit3A_341 = arith.constant 2 : i32
          %div3A_342 = arith.divsi %add3A_305, %jit3A_341 : i32
          %sign3A_343 = arith.constant 0 : i32
          %sign3A_344 = arith.cmpi sgt, %add3A_305, %sign3A_343 : i32
          %sign3A_345 = arith.extui %sign3A_344 : i1 to i32
          %sign3A_346 = arith.constant 0 : i32
          %sign3A_347 = arith.cmpi slt, %add3A_305, %sign3A_346 : i32
          %sign3A_348 = arith.extui %sign3A_347 : i1 to i32
          %sign3A_349 = arith.subi %sign3A_345, %sign3A_348 : i32
          %sign3A_350 = arith.constant 0 : i32
          %sign3A_351 = arith.cmpi sgt, %jit3A_341, %sign3A_350 : i32
          %sign3A_352 = arith.extui %sign3A_351 : i1 to i32
          %sign3A_353 = arith.constant 0 : i32
          %sign3A_354 = arith.cmpi slt, %jit3A_341, %sign3A_353 : i32
          %sign3A_355 = arith.extui %sign3A_354 : i1 to i32
          %sign3A_356 = arith.subi %sign3A_352, %sign3A_355 : i32
          %ne3A_357 = arith.cmpi ne, %sign3A_349, %sign3A_356 : i32
          %rem3A_358 = arith.remsi %add3A_305, %jit3A_341 : i32
          %ne3A_359 = arith.constant 0 : i32
          %ne3A_360 = arith.cmpi ne, %rem3A_358, %ne3A_359 : i32
          %and3A_361 = arith.andi %ne3A_357, %ne3A_360 : i1
          %sub3A_362 = arith.constant 1 : i32
          %sub3A_363 = arith.subi %div3A_342, %sub3A_362 : i32
          %select_n3A_364 = arith.select %and3A_361, %sub3A_363, %div3A_342 : i32
          %jit3A_365 = arith.constant 2 : i32
          %eq3A_366 = arith.constant 0 : i32
          %eq3A_367 = arith.cmpi eq, %jit3A_365, %eq3A_366 : i32
          %jit3A_368 = arith.constant 1 : i32
          %select_n3A_369 = arith.select %eq3A_367, %jit3A_368, %jit3A_365 : i32
          %rem3A_370 = arith.remsi %add3A_305, %select_n3A_369 : i32
          %ne3A_371 = arith.constant 0 : i32
          %ne3A_372 = arith.cmpi ne, %rem3A_370, %ne3A_371 : i32
          %lt3A_373 = arith.constant 0 : i32
          %lt3A_374 = arith.cmpi slt, %rem3A_370, %lt3A_373 : i32
          %lt3A_375 = arith.constant 0 : i32
          %lt3A_376 = arith.cmpi slt, %select_n3A_369, %lt3A_375 : i32
          %ne3A_377 = arith.xori %lt3A_374, %lt3A_376 : i1
          %and3A_378 = arith.andi %ne3A_377, %ne3A_372 : i1
          %add3A_379 = arith.addi %rem3A_370, %select_n3A_369 : i32
          %select_n3A_380 = arith.select %and3A_378, %add3A_379, %rem3A_370 : i32
          %mul3A_381 = arith.constant 16384 : i32
          %mul3A_382 = arith.muli %select_n3A_380, %mul3A_381 : i32
          %dma_start3A_383 = arith.constant 16384 : i32
          %dma_start3A_384 = tpu.memref_slice %arg4[%dma_start3A_383] : memref<32768xf32, #tpu.memory_space<vmem>> -> memref<16384xf32, #tpu.memory_space<vmem>>
          %dma_start3A_385 = tpu.memref_slice %arg2[%add3A_20, %select_n3A_364, %mul3A_382] : memref<128x8x32768xf32, #tpu.memory_space<hbm>> -> memref<1x1x16384xf32, #tpu.memory_space<hbm>>
          %dma_start3A_386 = tpu.memref_squeeze %dma_start3A_385 : memref<1x1x16384xf32, #tpu.memory_space<hbm>> -> memref<16384xf32, #tpu.memory_space<hbm>>
          %dma_start3A_387 = arith.constant 16384 : i32
          %dma_start3A_388 = tpu.memref_slice %arg4[%dma_start3A_387] : memref<32768xf32, #tpu.memory_space<vmem>> -> memref<16384xf32, #tpu.memory_space<vmem>>
          %dma_start3A_389 = tpu.memref_slice %arg2[%add3A_20, %select_n3A_364, %mul3A_382] : memref<128x8x32768xf32, #tpu.memory_space<hbm>> -> memref<1x1x16384xf32, #tpu.memory_space<hbm>>
          %dma_start3A_390 = tpu.memref_squeeze %dma_start3A_389 : memref<1x1x16384xf32, #tpu.memory_space<hbm>> -> memref<16384xf32, #tpu.memory_space<hbm>>
          tpu.enqueue_dma source(%dma_start3A_390 : memref<16384xf32, #tpu.memory_space<hbm>>) target(%dma_start3A_388 : memref<16384xf32, #tpu.memory_space<vmem>>) target_semaphore(%arg9 : memref<!tpu.dma_semaphore, #tpu.memory_space<semaphore_mem>>)
        } else {
        }
        %convert_element_type3A_325 = arith.extui %eq3A_303 : i1 to i32
        %cond3A_326 = arith.constant 0 : i32
        %cond3A_327 = arith.cmpi ne, %convert_element_type3A_325, %cond3A_326 : i32
        scf.if %cond3A_327 {
          %jit3A_341 = arith.constant 2 : i32
          %div3A_342 = arith.divsi %scan3A_298, %jit3A_341 : i32
          %sign3A_343 = arith.constant 0 : i32
          %sign3A_344 = arith.cmpi sgt, %scan3A_298, %sign3A_343 : i32
          %sign3A_345 = arith.extui %sign3A_344 : i1 to i32
          %sign3A_346 = arith.constant 0 : i32
          %sign3A_347 = arith.cmpi slt, %scan3A_298, %sign3A_346 : i32
          %sign3A_348 = arith.extui %sign3A_347 : i1 to i32
          %sign3A_349 = arith.subi %sign3A_345, %sign3A_348 : i32
          %sign3A_350 = arith.constant 0 : i32
          %sign3A_351 = arith.cmpi sgt, %jit3A_341, %sign3A_350 : i32
          %sign3A_352 = arith.extui %sign3A_351 : i1 to i32
          %sign3A_353 = arith.constant 0 : i32
          %sign3A_354 = arith.cmpi slt, %jit3A_341, %sign3A_353 : i32
          %sign3A_355 = arith.extui %sign3A_354 : i1 to i32
          %sign3A_356 = arith.subi %sign3A_352, %sign3A_355 : i32
          %ne3A_357 = arith.cmpi ne, %sign3A_349, %sign3A_356 : i32
          %rem3A_358 = arith.remsi %scan3A_298, %jit3A_341 : i32
          %ne3A_359 = arith.constant 0 : i32
          %ne3A_360 = arith.cmpi ne, %rem3A_358, %ne3A_359 : i32
          %and3A_361 = arith.andi %ne3A_357, %ne3A_360 : i1
          %sub3A_362 = arith.constant 1 : i32
          %sub3A_363 = arith.subi %div3A_342, %sub3A_362 : i32
          %select_n3A_364 = arith.select %and3A_361, %sub3A_363, %div3A_342 : i32
          %jit3A_365 = arith.constant 2 : i32
          %eq3A_366 = arith.constant 0 : i32
          %eq3A_367 = arith.cmpi eq, %jit3A_365, %eq3A_366 : i32
          %jit3A_368 = arith.constant 1 : i32
          %select_n3A_369 = arith.select %eq3A_367, %jit3A_368, %jit3A_365 : i32
          %rem3A_370 = arith.remsi %scan3A_298, %select_n3A_369 : i32
          %ne3A_371 = arith.constant 0 : i32
          %ne3A_372 = arith.cmpi ne, %rem3A_370, %ne3A_371 : i32
          %lt3A_373 = arith.constant 0 : i32
          %lt3A_374 = arith.cmpi slt, %rem3A_370, %lt3A_373 : i32
          %lt3A_375 = arith.constant 0 : i32
          %lt3A_376 = arith.cmpi slt, %select_n3A_369, %lt3A_375 : i32
          %ne3A_377 = arith.xori %lt3A_374, %lt3A_376 : i1
          %and3A_378 = arith.andi %ne3A_377, %ne3A_372 : i1
          %add3A_379 = arith.addi %rem3A_370, %select_n3A_369 : i32
          %select_n3A_380 = arith.select %and3A_378, %add3A_379, %rem3A_370 : i32
          %mul3A_381 = arith.constant 16384 : i32
          %mul3A_382 = arith.muli %select_n3A_380, %mul3A_381 : i32
          %dma_wait3A = arith.constant 0 : i32
          %dma_wait3A_383 = tpu.memref_slice %arg4[%dma_wait3A] : memref<32768xf32, #tpu.memory_space<vmem>> -> memref<16384xf32, #tpu.memory_space<vmem>>
          %dma_wait3A_384 = tpu.memref_slice %arg2[%add3A_20, %select_n3A_364, %mul3A_382] : memref<128x8x32768xf32, #tpu.memory_space<hbm>> -> memref<1x1x16384xf32, #tpu.memory_space<hbm>>
          %dma_wait3A_385 = tpu.memref_squeeze %dma_wait3A_384 : memref<1x1x16384xf32, #tpu.memory_space<hbm>> -> memref<16384xf32, #tpu.memory_space<hbm>>
          %dma_wait3A_386 = arith.constant 0 : i32
          %dma_wait3A_387 = tpu.memref_slice %arg4[%dma_wait3A_386] : memref<32768xf32, #tpu.memory_space<vmem>> -> memref<16384xf32, #tpu.memory_space<vmem>>
          %dma_wait3A_388 = tpu.memref_slice %arg2[%add3A_20, %select_n3A_364, %mul3A_382] : memref<128x8x32768xf32, #tpu.memory_space<hbm>> -> memref<1x1x16384xf32, #tpu.memory_space<hbm>>
          %dma_wait3A_389 = tpu.memref_squeeze %dma_wait3A_388 : memref<1x1x16384xf32, #tpu.memory_space<hbm>> -> memref<16384xf32, #tpu.memory_space<hbm>>
          tpu.wait_dma2 semaphore(%arg8 : memref<!tpu.dma_semaphore, #tpu.memory_space<semaphore_mem>>) src(%dma_wait3A_389 : memref<16384xf32, #tpu.memory_space<hbm>>) dst(%dma_wait3A_387 : memref<16384xf32, #tpu.memory_space<vmem>>)
        } else {
        }
        %not3A_328 = arith.constant true
        %not3A_329 = arith.xori %eq3A_303, %not3A_328 : i1
        %convert_element_type3A_330 = arith.extui %not3A_329 : i1 to i32
        %cond3A_331 = arith.constant 0 : i32
        %cond3A_332 = arith.cmpi ne, %convert_element_type3A_330, %cond3A_331 : i32
        scf.if %cond3A_332 {
          %jit3A_341 = arith.constant 2 : i32
          %div3A_342 = arith.divsi %scan3A_298, %jit3A_341 : i32
          %sign3A_343 = arith.constant 0 : i32
          %sign3A_344 = arith.cmpi sgt, %scan3A_298, %sign3A_343 : i32
          %sign3A_345 = arith.extui %sign3A_344 : i1 to i32
          %sign3A_346 = arith.constant 0 : i32
          %sign3A_347 = arith.cmpi slt, %scan3A_298, %sign3A_346 : i32
          %sign3A_348 = arith.extui %sign3A_347 : i1 to i32
          %sign3A_349 = arith.subi %sign3A_345, %sign3A_348 : i32
          %sign3A_350 = arith.constant 0 : i32
          %sign3A_351 = arith.cmpi sgt, %jit3A_341, %sign3A_350 : i32
          %sign3A_352 = arith.extui %sign3A_351 : i1 to i32
          %sign3A_353 = arith.constant 0 : i32
          %sign3A_354 = arith.cmpi slt, %jit3A_341, %sign3A_353 : i32
          %sign3A_355 = arith.extui %sign3A_354 : i1 to i32
          %sign3A_356 = arith.subi %sign3A_352, %sign3A_355 : i32
          %ne3A_357 = arith.cmpi ne, %sign3A_349, %sign3A_356 : i32
          %rem3A_358 = arith.remsi %scan3A_298, %jit3A_341 : i32
          %ne3A_359 = arith.constant 0 : i32
          %ne3A_360 = arith.cmpi ne, %rem3A_358, %ne3A_359 : i32
          %and3A_361 = arith.andi %ne3A_357, %ne3A_360 : i1
          %sub3A_362 = arith.constant 1 : i32
          %sub3A_363 = arith.subi %div3A_342, %sub3A_362 : i32
          %select_n3A_364 = arith.select %and3A_361, %sub3A_363, %div3A_342 : i32
          %jit3A_365 = arith.constant 2 : i32
          %eq3A_366 = arith.constant 0 : i32
          %eq3A_367 = arith.cmpi eq, %jit3A_365, %eq3A_366 : i32
          %jit3A_368 = arith.constant 1 : i32
          %select_n3A_369 = arith.select %eq3A_367, %jit3A_368, %jit3A_365 : i32
          %rem3A_370 = arith.remsi %scan3A_298, %select_n3A_369 : i32
          %ne3A_371 = arith.constant 0 : i32
          %ne3A_372 = arith.cmpi ne, %rem3A_370, %ne3A_371 : i32
          %lt3A_373 = arith.constant 0 : i32
          %lt3A_374 = arith.cmpi slt, %rem3A_370, %lt3A_373 : i32
          %lt3A_375 = arith.constant 0 : i32
          %lt3A_376 = arith.cmpi slt, %select_n3A_369, %lt3A_375 : i32
          %ne3A_377 = arith.xori %lt3A_374, %lt3A_376 : i1
          %and3A_378 = arith.andi %ne3A_377, %ne3A_372 : i1
          %add3A_379 = arith.addi %rem3A_370, %select_n3A_369 : i32
          %select_n3A_380 = arith.select %and3A_378, %add3A_379, %rem3A_370 : i32
          %mul3A_381 = arith.constant 16384 : i32
          %mul3A_382 = arith.muli %select_n3A_380, %mul3A_381 : i32
          %dma_wait3A = arith.constant 16384 : i32
          %dma_wait3A_383 = tpu.memref_slice %arg4[%dma_wait3A] : memref<32768xf32, #tpu.memory_space<vmem>> -> memref<16384xf32, #tpu.memory_space<vmem>>
          %dma_wait3A_384 = tpu.memref_slice %arg2[%add3A_20, %select_n3A_364, %mul3A_382] : memref<128x8x32768xf32, #tpu.memory_space<hbm>> -> memref<1x1x16384xf32, #tpu.memory_space<hbm>>
          %dma_wait3A_385 = tpu.memref_squeeze %dma_wait3A_384 : memref<1x1x16384xf32, #tpu.memory_space<hbm>> -> memref<16384xf32, #tpu.memory_space<hbm>>
          %dma_wait3A_386 = arith.constant 16384 : i32
          %dma_wait3A_387 = tpu.memref_slice %arg4[%dma_wait3A_386] : memref<32768xf32, #tpu.memory_space<vmem>> -> memref<16384xf32, #tpu.memory_space<vmem>>
          %dma_wait3A_388 = tpu.memref_slice %arg2[%add3A_20, %select_n3A_364, %mul3A_382] : memref<128x8x32768xf32, #tpu.memory_space<hbm>> -> memref<1x1x16384xf32, #tpu.memory_space<hbm>>
          %dma_wait3A_389 = tpu.memref_squeeze %dma_wait3A_388 : memref<1x1x16384xf32, #tpu.memory_space<hbm>> -> memref<16384xf32, #tpu.memory_space<hbm>>
          tpu.wait_dma2 semaphore(%arg9 : memref<!tpu.dma_semaphore, #tpu.memory_space<semaphore_mem>>) src(%dma_wait3A_389 : memref<16384xf32, #tpu.memory_space<hbm>>) dst(%dma_wait3A_387 : memref<16384xf32, #tpu.memory_space<vmem>>)
        } else {
        }
        %rem3A_333 = arith.constant 2 : i32
        %rem3A_334 = arith.remsi %scan3A_298, %rem3A_333 : i32
        %mul3A_335 = arith.constant 16384 : i32
        %mul3A_336 = arith.muli %rem3A_334, %mul3A_335 : i32
        %parallel_loop3A_337 = arith.constant 0 : i32
        %parallel_loop3A_338 = arith.constant 1024 : i32
        %parallel_loop3A_339 = arith.constant 1 : i32
        scf.for %parallel_loop3A_341 = %parallel_loop3A_337 to %parallel_loop3A_338 step %parallel_loop3A_339  : i32 {
          %parallel_loop3A_342 = arith.constant 16 : i32
          %parallel_loop3A_343 = arith.muli %parallel_loop3A_341, %parallel_loop3A_342 : i32
          %parallel_loop3A_344 = arith.addi %mul3A_336, %parallel_loop3A_343 : i32
          %parallel_loop3A_345 = arith.index_cast %parallel_loop3A_344 : i32 to index
          %parallel_loop3A_346 = tpu.vector_load %arg4[%parallel_loop3A_345] {strides = array<i32>} : memref<32768xf32, #tpu.memory_space<vmem>>, vector<16xf32>,
          %parallel_loop3A_347 = vector.bitcast %parallel_loop3A_346 : vector<16xf32> to vector<16xi32>
          %parallel_loop3A_348 = arith.constant 31 : i32
          %parallel_loop3A_349 = vector.broadcast %parallel_loop3A_348 : i32 to vector<16xi32>
          %parallel_loop3A_350 = arith.shrsi %parallel_loop3A_347, %parallel_loop3A_349 : vector<16xi32>
          %parallel_loop3A_351 = arith.constant -2147483648 : i32
          %parallel_loop3A_352 = vector.broadcast %parallel_loop3A_351 : i32 to vector<16xi32>
          %parallel_loop3A_353 = arith.ori %parallel_loop3A_352, %parallel_loop3A_350 : vector<16xi32>
          %parallel_loop3A_354 = arith.xori %parallel_loop3A_347, %parallel_loop3A_353 : vector<16xi32>
          %parallel_loop3A_355 = arith.constant 16 : i32
          %parallel_loop3A_356 = vector.broadcast %parallel_loop3A_355 : i32 to vector<16xi32>
          %parallel_loop3A_357 = arith.shrui %parallel_loop3A_354, %parallel_loop3A_356 : vector<16xi32>
          %parallel_loop3A_358 = arith.constant 65535 : i32
          %parallel_loop3A_359 = vector.broadcast %parallel_loop3A_358 : i32 to vector<16xi32>
          %parallel_loop3A_360 = arith.andi %parallel_loop3A_354, %parallel_loop3A_359 : vector<16xi32>
          %parallel_loop3A_361 = vector.broadcast %add3A_141 : i32 to vector<16xi32>
          %parallel_loop3A_362 = arith.cmpi eq, %parallel_loop3A_357, %parallel_loop3A_361 : vector<16xi32>
          tpu.vector_store_idx %arg5[%parallel_loop3A_360], %broadcast_in_dim3A_3 masked %parallel_loop3A_362 {add = true} : memref<65536xi32, #tpu.memory_space<vmem>>[vector<16xi32>], vector<16xi32>, vector<16xi1>
        } {sc.loop_unroll_factor = 16 : i64, sc.parallel_access}
        %scan3A_340 = arith.constant 0 : i32
        scf.yield %scan3A_340 : i32
      }
      %scan3A_204 = arith.constant 16 : i32
      %broadcast_in_dim3A_205 = arith.constant 0 : i32
      %broadcast_in_dim3A_206 = vector.broadcast %broadcast_in_dim3A_205 : i32 to vector<16xi32>
      %iota3A_207 = tpu.iota {dimensions = array<i32: 0>} : vector<16xi32>
      %parallel_loop3A_208 = arith.constant 0 : i32
      %parallel_loop3A_209 = arith.constant 256 : i32
      %parallel_loop3A_210 = arith.constant 1 : i32
      scf.for %parallel_loop3A_298 = %parallel_loop3A_208 to %parallel_loop3A_209 step %parallel_loop3A_210  : i32 {
        %parallel_loop3A_299 = arith.constant 16 : i32
        %parallel_loop3A_300 = arith.muli %parallel_loop3A_298, %parallel_loop3A_299 : i32
        %parallel_loop3A_301 = arith.constant 0 : i32
        %parallel_loop3A_302 = arith.addi %parallel_loop3A_300, %parallel_loop3A_301 : i32
        %parallel_loop3A_303 = arith.constant 16 : i32
        %parallel_loop3A_304 = arith.muli %parallel_loop3A_302, %parallel_loop3A_303 : i32
        %parallel_loop3A_305 = arith.index_cast %parallel_loop3A_304 : i32 to index
        %parallel_loop3A_306 = tpu.vector_load %arg5[%parallel_loop3A_305] {strides = array<i32>} : memref<65536xi32, #tpu.memory_space<vmem>>, vector<16xi32>,
        %parallel_loop3A_307 = arith.addi %broadcast_in_dim3A_206, %parallel_loop3A_306 : vector<16xi32>
        %parallel_loop3A_308 = arith.constant 16 : i32
        %parallel_loop3A_309 = arith.muli %parallel_loop3A_298, %parallel_loop3A_308 : i32
        %parallel_loop3A_310 = arith.constant 1 : i32
        %parallel_loop3A_311 = arith.addi %parallel_loop3A_309, %parallel_loop3A_310 : i32
        %parallel_loop3A_312 = arith.constant 16 : i32
        %parallel_loop3A_313 = arith.muli %parallel_loop3A_311, %parallel_loop3A_312 : i32
        %parallel_loop3A_314 = arith.index_cast %parallel_loop3A_313 : i32 to index
        %parallel_loop3A_315 = tpu.vector_load %arg5[%parallel_loop3A_314] {strides = array<i32>} : memref<65536xi32, #tpu.memory_space<vmem>>, vector<16xi32>,
        %parallel_loop3A_316 = arith.addi %parallel_loop3A_307, %parallel_loop3A_315 : vector<16xi32>
        %parallel_loop3A_317 = arith.constant 16 : i32
        %parallel_loop3A_318 = arith.muli %parallel_loop3A_298, %parallel_loop3A_317 : i32
        %parallel_loop3A_319 = arith.constant 2 : i32
        %parallel_loop3A_320 = arith.addi %parallel_loop3A_318, %parallel_loop3A_319 : i32
        %parallel_loop3A_321 = arith.constant 16 : i32
        %parallel_loop3A_322 = arith.muli %parallel_loop3A_320, %parallel_loop3A_321 : i32
        %parallel_loop3A_323 = arith.index_cast %parallel_loop3A_322 : i32 to index
        %parallel_loop3A_324 = tpu.vector_load %arg5[%parallel_loop3A_323] {strides = array<i32>} : memref<65536xi32, #tpu.memory_space<vmem>>, vector<16xi32>,
        %parallel_loop3A_325 = arith.addi %parallel_loop3A_316, %parallel_loop3A_324 : vector<16xi32>
        %parallel_loop3A_326 = arith.constant 16 : i32
        %parallel_loop3A_327 = arith.muli %parallel_loop3A_298, %parallel_loop3A_326 : i32
        %parallel_loop3A_328 = arith.constant 3 : i32
        %parallel_loop3A_329 = arith.addi %parallel_loop3A_327, %parallel_loop3A_328 : i32
        %parallel_loop3A_330 = arith.constant 16 : i32
        %parallel_loop3A_331 = arith.muli %parallel_loop3A_329, %parallel_loop3A_330 : i32
        %parallel_loop3A_332 = arith.index_cast %parallel_loop3A_331 : i32 to index
        %parallel_loop3A_333 = tpu.vector_load %arg5[%parallel_loop3A_332] {strides = array<i32>} : memref<65536xi32, #tpu.memory_space<vmem>>, vector<16xi32>,
        %parallel_loop3A_334 = arith.addi %parallel_loop3A_325, %parallel_loop3A_333 : vector<16xi32>
        %parallel_loop3A_335 = arith.constant 16 : i32
        %parallel_loop3A_336 = arith.muli %parallel_loop3A_298, %parallel_loop3A_335 : i32
        %parallel_loop3A_337 = arith.constant 4 : i32
        %parallel_loop3A_338 = arith.addi %parallel_loop3A_336, %parallel_loop3A_337 : i32
        %parallel_loop3A_339 = arith.constant 16 : i32
        %parallel_loop3A_340 = arith.muli %parallel_loop3A_338, %parallel_loop3A_339 : i32
        %parallel_loop3A_341 = arith.index_cast %parallel_loop3A_340 : i32 to index
        %parallel_loop3A_342 = tpu.vector_load %arg5[%parallel_loop3A_341] {strides = array<i32>} : memref<65536xi32, #tpu.memory_space<vmem>>, vector<16xi32>,
        %parallel_loop3A_343 = arith.addi %parallel_loop3A_334, %parallel_loop3A_342 : vector<16xi32>
        %parallel_loop3A_344 = arith.constant 16 : i32
        %parallel_loop3A_345 = arith.muli %parallel_loop3A_298, %parallel_loop3A_344 : i32
        %parallel_loop3A_346 = arith.constant 5 : i32
        %parallel_loop3A_347 = arith.addi %parallel_loop3A_345, %parallel_loop3A_346 : i32
        %parallel_loop3A_348 = arith.constant 16 : i32
        %parallel_loop3A_349 = arith.muli %parallel_loop3A_347, %parallel_loop3A_348 : i32
        %parallel_loop3A_350 = arith.index_cast %parallel_loop3A_349 : i32 to index
        %parallel_loop3A_351 = tpu.vector_load %arg5[%parallel_loop3A_350] {strides = array<i32>} : memref<65536xi32, #tpu.memory_space<vmem>>, vector<16xi32>,
        %parallel_loop3A_352 = arith.addi %parallel_loop3A_343, %parallel_loop3A_351 : vector<16xi32>
        %parallel_loop3A_353 = arith.constant 16 : i32
        %parallel_loop3A_354 = arith.muli %parallel_loop3A_298, %parallel_loop3A_353 : i32
        %parallel_loop3A_355 = arith.constant 6 : i32
        %parallel_loop3A_356 = arith.addi %parallel_loop3A_354, %parallel_loop3A_355 : i32
        %parallel_loop3A_357 = arith.constant 16 : i32
        %parallel_loop3A_358 = arith.muli %parallel_loop3A_356, %parallel_loop3A_357 : i32
        %parallel_loop3A_359 = arith.index_cast %parallel_loop3A_358 : i32 to index
        %parallel_loop3A_360 = tpu.vector_load %arg5[%parallel_loop3A_359] {strides = array<i32>} : memref<65536xi32, #tpu.memory_space<vmem>>, vector<16xi32>,
        %parallel_loop3A_361 = arith.addi %parallel_loop3A_352, %parallel_loop3A_360 : vector<16xi32>
        %parallel_loop3A_362 = arith.constant 16 : i32
        %parallel_loop3A_363 = arith.muli %parallel_loop3A_298, %parallel_loop3A_362 : i32
        %parallel_loop3A_364 = arith.constant 7 : i32
        %parallel_loop3A_365 = arith.addi %parallel_loop3A_363, %parallel_loop3A_364 : i32
        %parallel_loop3A_366 = arith.constant 16 : i32
        %parallel_loop3A_367 = arith.muli %parallel_loop3A_365, %parallel_loop3A_366 : i32
        %parallel_loop3A_368 = arith.index_cast %parallel_loop3A_367 : i32 to index
        %parallel_loop3A_369 = tpu.vector_load %arg5[%parallel_loop3A_368] {strides = array<i32>} : memref<65536xi32, #tpu.memory_space<vmem>>, vector<16xi32>,
        %parallel_loop3A_370 = arith.addi %parallel_loop3A_361, %parallel_loop3A_369 : vector<16xi32>
        %parallel_loop3A_371 = arith.constant 16 : i32
        %parallel_loop3A_372 = arith.muli %parallel_loop3A_298, %parallel_loop3A_371 : i32
        %parallel_loop3A_373 = arith.constant 8 : i32
        %parallel_loop3A_374 = arith.addi %parallel_loop3A_372, %parallel_loop3A_373 : i32
        %parallel_loop3A_375 = arith.constant 16 : i32
        %parallel_loop3A_376 = arith.muli %parallel_loop3A_374, %parallel_loop3A_375 : i32
        %parallel_loop3A_377 = arith.index_cast %parallel_loop3A_376 : i32 to index
        %parallel_loop3A_378 = tpu.vector_load %arg5[%parallel_loop3A_377] {strides = array<i32>} : memref<65536xi32, #tpu.memory_space<vmem>>, vector<16xi32>,
        %parallel_loop3A_379 = arith.addi %parallel_loop3A_370, %parallel_loop3A_378 : vector<16xi32>
        %parallel_loop3A_380 = arith.constant 16 : i32
        %parallel_loop3A_381 = arith.muli %parallel_loop3A_298, %parallel_loop3A_380 : i32
        %parallel_loop3A_382 = arith.constant 9 : i32
        %parallel_loop3A_383 = arith.addi %parallel_loop3A_381, %parallel_loop3A_382 : i32
        %parallel_loop3A_384 = arith.constant 16 : i32
        %parallel_loop3A_385 = arith.muli %parallel_loop3A_383, %parallel_loop3A_384 : i32
        %parallel_loop3A_386 = arith.index_cast %parallel_loop3A_385 : i32 to index
        %parallel_loop3A_387 = tpu.vector_load %arg5[%parallel_loop3A_386] {strides = array<i32>} : memref<65536xi32, #tpu.memory_space<vmem>>, vector<16xi32>,
        %parallel_loop3A_388 = arith.addi %parallel_loop3A_379, %parallel_loop3A_387 : vector<16xi32>
        %parallel_loop3A_389 = arith.constant 16 : i32
        %parallel_loop3A_390 = arith.muli %parallel_loop3A_298, %parallel_loop3A_389 : i32
        %parallel_loop3A_391 = arith.constant 10 : i32
        %parallel_loop3A_392 = arith.addi %parallel_loop3A_390, %parallel_loop3A_391 : i32
        %parallel_loop3A_393 = arith.constant 16 : i32
        %parallel_loop3A_394 = arith.muli %parallel_loop3A_392, %parallel_loop3A_393 : i32
        %parallel_loop3A_395 = arith.index_cast %parallel_loop3A_394 : i32 to index
        %parallel_loop3A_396 = tpu.vector_load %arg5[%parallel_loop3A_395] {strides = array<i32>} : memref<65536xi32, #tpu.memory_space<vmem>>, vector<16xi32>,
        %parallel_loop3A_397 = arith.addi %parallel_loop3A_388, %parallel_loop3A_396 : vector<16xi32>
        %parallel_loop3A_398 = arith.constant 16 : i32
        %parallel_loop3A_399 = arith.muli %parallel_loop3A_298, %parallel_loop3A_398 : i32
        %parallel_loop3A_400 = arith.constant 11 : i32
        %parallel_loop3A_401 = arith.addi %parallel_loop3A_399, %parallel_loop3A_400 : i32
        %parallel_loop3A_402 = arith.constant 16 : i32
        %parallel_loop3A_403 = arith.muli %parallel_loop3A_401, %parallel_loop3A_402 : i32
        %parallel_loop3A_404 = arith.index_cast %parallel_loop3A_403 : i32 to index
        %parallel_loop3A_405 = tpu.vector_load %arg5[%parallel_loop3A_404] {strides = array<i32>} : memref<65536xi32, #tpu.memory_space<vmem>>, vector<16xi32>,
        %parallel_loop3A_406 = arith.addi %parallel_loop3A_397, %parallel_loop3A_405 : vector<16xi32>
        %parallel_loop3A_407 = arith.constant 16 : i32
        %parallel_loop3A_408 = arith.muli %parallel_loop3A_298, %parallel_loop3A_407 : i32
        %parallel_loop3A_409 = arith.constant 12 : i32
        %parallel_loop3A_410 = arith.addi %parallel_loop3A_408, %parallel_loop3A_409 : i32
        %parallel_loop3A_411 = arith.constant 16 : i32
        %parallel_loop3A_412 = arith.muli %parallel_loop3A_410, %parallel_loop3A_411 : i32
        %parallel_loop3A_413 = arith.index_cast %parallel_loop3A_412 : i32 to index
        %parallel_loop3A_414 = tpu.vector_load %arg5[%parallel_loop3A_413] {strides = array<i32>} : memref<65536xi32, #tpu.memory_space<vmem>>, vector<16xi32>,
        %parallel_loop3A_415 = arith.addi %parallel_loop3A_406, %parallel_loop3A_414 : vector<16xi32>
        %parallel_loop3A_416 = arith.constant 16 : i32
        %parallel_loop3A_417 = arith.muli %parallel_loop3A_298, %parallel_loop3A_416 : i32
        %parallel_loop3A_418 = arith.constant 13 : i32
        %parallel_loop3A_419 = arith.addi %parallel_loop3A_417, %parallel_loop3A_418 : i32
        %parallel_loop3A_420 = arith.constant 16 : i32
        %parallel_loop3A_421 = arith.muli %parallel_loop3A_419, %parallel_loop3A_420 : i32
        %parallel_loop3A_422 = arith.index_cast %parallel_loop3A_421 : i32 to index
        %parallel_loop3A_423 = tpu.vector_load %arg5[%parallel_loop3A_422] {strides = array<i32>} : memref<65536xi32, #tpu.memory_space<vmem>>, vector<16xi32>,
        %parallel_loop3A_424 = arith.addi %parallel_loop3A_415, %parallel_loop3A_423 : vector<16xi32>
        %parallel_loop3A_425 = arith.constant 16 : i32
        %parallel_loop3A_426 = arith.muli %parallel_loop3A_298, %parallel_loop3A_425 : i32
        %parallel_loop3A_427 = arith.constant 14 : i32
        %parallel_loop3A_428 = arith.addi %parallel_loop3A_426, %parallel_loop3A_427 : i32
        %parallel_loop3A_429 = arith.constant 16 : i32
        %parallel_loop3A_430 = arith.muli %parallel_loop3A_428, %parallel_loop3A_429 : i32
        %parallel_loop3A_431 = arith.index_cast %parallel_loop3A_430 : i32 to index
        %parallel_loop3A_432 = tpu.vector_load %arg5[%parallel_loop3A_431] {strides = array<i32>} : memref<65536xi32, #tpu.memory_space<vmem>>, vector<16xi32>,
        %parallel_loop3A_433 = arith.addi %parallel_loop3A_424, %parallel_loop3A_432 : vector<16xi32>
        %parallel_loop3A_434 = arith.constant 16 : i32
        %parallel_loop3A_435 = arith.muli %parallel_loop3A_298, %parallel_loop3A_434 : i32
        %parallel_loop3A_436 = arith.constant 15 : i32
        %parallel_loop3A_437 = arith.addi %parallel_loop3A_435, %parallel_loop3A_436 : i32
        %parallel_loop3A_438 = arith.constant 16 : i32
        %parallel_loop3A_439 = arith.muli %parallel_loop3A_437, %parallel_loop3A_438 : i32
        %parallel_loop3A_440 = arith.index_cast %parallel_loop3A_439 : i32 to index
        %parallel_loop3A_441 = tpu.vector_load %arg5[%parallel_loop3A_440] {strides = array<i32>} : memref<65536xi32, #tpu.memory_space<vmem>>, vector<16xi32>,
        %parallel_loop3A_442 = arith.addi %parallel_loop3A_433, %parallel_loop3A_441 : vector<16xi32>
        %parallel_loop3A_443 = arith.constant 16 : i32
        %parallel_loop3A_444 = arith.muli %parallel_loop3A_298, %parallel_loop3A_443 : i32
        %parallel_loop3A_445 = arith.index_cast %parallel_loop3A_444 : i32 to index
        %parallel_loop3A_446 = tpu.vector_load %arg6[%parallel_loop3A_445] {strides = array<i32>} : memref<4096xi32, #tpu.memory_space<vmem>>, vector<16xi32>,
        tpu.vector_store %arg6[%parallel_loop3A_445], %parallel_loop3A_442 {strides = array<i32>} : memref<4096xi32, #tpu.memory_space<vmem>>, vector<16xi32>,
      } {sc.loop_unroll_factor = 2 : i64, sc.parallel_access}
      %scan3A_211 = arith.constant 0 : i32
      %scan3A_212 = arith.constant 0 : i32
      %scan3A_213 = arith.constant 0 : i32
      %scan3A_214 = arith.constant 0 : i32
      %scan3A_215 = arith.constant 16 : i32
      %scan3A_216 = arith.addi %scan3A_214, %scan3A_215 : i32
      %scan3A_217 = arith.constant 1 : i32
      %scan3A_218:3 = scf.for %scan3A_298 = %scan3A_214 to %scan3A_216 step %scan3A_217 iter_args(%scan3A_299 = %scan3A_211, %scan3A_300 = %scan3A_212, %scan3A_301 = %scan3A_213) -> (i32, i32, i32)  : i32 {
        %sub3A_302 = arith.constant 15 : i32
        %sub3A_303 = arith.subi %sub3A_302, %scan3A_298 : i32
        %scan3A_304 = arith.constant 0 : i32
        %scan3A_305 = arith.constant 16 : i32
        %scan3A_306 = arith.addi %scan3A_304, %scan3A_305 : i32
        %scan3A_307 = arith.constant 1 : i32
        %scan3A_308 = scf.for %scan3A_321 = %scan3A_304 to %scan3A_306 step %scan3A_307 iter_args(%scan3A_322 = %broadcast_in_dim3A_206) -> (vector<16xi32>)  : i32 {
          %mul3A_323 = arith.constant 16 : i32
          %mul3A_324 = arith.muli %sub3A_303, %mul3A_323 : i32
          %add3A_325 = arith.addi %mul3A_324, %scan3A_321 : i32
          %mul3A_326 = arith.constant 16 : i32
          %mul3A_327 = arith.muli %add3A_325, %mul3A_326 : i32
          %get3A_328 = arith.index_cast %mul3A_327 : i32 to index
          %get3A_329 = tpu.vector_load %arg6[%get3A_328] {strides = array<i32>} : memref<4096xi32, #tpu.memory_space<vmem>>, vector<16xi32>,
          %add3A_330 = arith.addi %scan3A_322, %get3A_329 : vector<16xi32>
          scf.yield %add3A_330 : vector<16xi32>
        }
        %scan3A_309 = arith.constant 16 : i32
        %reduce_sum3A_310 = arith.constant true
        %reduce_sum3A_311 = vector.broadcast %reduce_sum3A_310 : i1 to vector<16xi1>
        %reduce_sum3A_312 = tpu.scan <sum>, %scan3A_308 masked %reduce_sum3A_311 : vector<16xi32>, vector<16xi1> -> vector<16xi32>
        %reduce_sum3A_313 = vector.extract %reduce_sum3A_312[15] : i32 from vector<16xi32>
        %lt3A_314 = arith.cmpi slt, %scan3A_299, %sub3A_142 : i32
        %add3A_315 = arith.addi %scan3A_299, %reduce_sum3A_313 : i32
        %ge3A_316 = arith.cmpi sge, %add3A_315, %sub3A_142 : i32
        %and3A_317 = arith.andi %lt3A_314, %ge3A_316 : i1
        %select_n3A_318 = arith.select %and3A_317, %sub3A_303, %scan3A_300 : i32
        %select_n3A_319 = arith.select %and3A_317, %scan3A_299, %scan3A_301 : i32
        %add3A_320 = arith.addi %scan3A_299, %reduce_sum3A_313 : i32
        scf.yield %add3A_320, %select_n3A_318, %select_n3A_319 : i32, i32, i32
      }
      %scan3A_219 = arith.constant 16 : i32
      %sub3A_220 = arith.subi %sub3A_142, %scan3A_218#2 : i32
      %scan3A_221 = arith.constant 0 : i32
      %scan3A_222 = arith.constant 0 : i32
      %scan3A_223 = arith.constant 0 : i32
      %scan3A_224 = arith.constant 0 : i32
      %scan3A_225 = arith.constant 16 : i32
      %scan3A_226 = arith.addi %scan3A_224, %scan3A_225 : i32
      %scan3A_227 = arith.constant 1 : i32
      %scan3A_228:3 = scf.for %scan3A_298 = %scan3A_224 to %scan3A_226 step %scan3A_227 iter_args(%scan3A_299 = %scan3A_221, %scan3A_300 = %scan3A_222, %scan3A_301 = %scan3A_223) -> (i32, i32, i32)  : i32 {
        %sub3A_302 = arith.constant 15 : i32
        %sub3A_303 = arith.subi %sub3A_302, %scan3A_298 : i32
        %mul3A_304 = arith.constant 16 : i32
        %mul3A_305 = arith.muli %scan3A_218#1, %mul3A_304 : i32
        %add3A_306 = arith.addi %mul3A_305, %sub3A_303 : i32
        %mul3A_307 = arith.constant 16 : i32
        %mul3A_308 = arith.muli %add3A_306, %mul3A_307 : i32
        %get3A_309 = arith.index_cast %mul3A_308 : i32 to index
        %get3A_310 = tpu.vector_load %arg6[%get3A_309] {strides = array<i32>} : memref<4096xi32, #tpu.memory_space<vmem>>, vector<16xi32>,
        %reduce_sum3A_311 = arith.constant true
        %reduce_sum3A_312 = vector.broadcast %reduce_sum3A_311 : i1 to vector<16xi1>
        %reduce_sum3A_313 = tpu.scan <sum>, %get3A_310 masked %reduce_sum3A_312 : vector<16xi32>, vector<16xi1> -> vector<16xi32>
        %reduce_sum3A_314 = vector.extract %reduce_sum3A_313[15] : i32 from vector<16xi32>
        %lt3A_315 = arith.cmpi slt, %scan3A_299, %sub3A_220 : i32
        %add3A_316 = arith.addi %scan3A_299, %reduce_sum3A_314 : i32
        %ge3A_317 = arith.cmpi sge, %add3A_316, %sub3A_220 : i32
        %and3A_318 = arith.andi %lt3A_315, %ge3A_317 : i1
        %select_n3A_319 = arith.select %and3A_318, %sub3A_303, %scan3A_300 : i32
        %select_n3A_320 = arith.select %and3A_318, %scan3A_299, %scan3A_301 : i32
        %add3A_321 = arith.addi %scan3A_299, %reduce_sum3A_314 : i32
        scf.yield %add3A_321, %select_n3A_319, %select_n3A_320 : i32, i32, i32
      }
      %scan3A_229 = arith.constant 16 : i32
      %sub3A_230 = arith.subi %sub3A_220, %scan3A_228#2 : i32
      %mul3A_231 = arith.constant 16 : i32
      %mul3A_232 = arith.muli %scan3A_218#1, %mul3A_231 : i32
      %add3A_233 = arith.addi %mul3A_232, %scan3A_228#1 : i32
      %scan3A_234 = arith.constant 0 : i32
      %scan3A_235 = arith.constant 0 : i32
      %scan3A_236 = arith.constant 0 : i32
      %scan3A_237 = arith.constant 0 : i32
      %scan3A_238 = arith.constant 16 : i32
      %scan3A_239 = arith.addi %scan3A_237, %scan3A_238 : i32
      %scan3A_240 = arith.constant 1 : i32
      %scan3A_241:3 = scf.for %scan3A_298 = %scan3A_237 to %scan3A_239 step %scan3A_240 iter_args(%scan3A_299 = %scan3A_234, %scan3A_300 = %scan3A_235, %scan3A_301 = %scan3A_236) -> (i32, i32, i32)  : i32 {
        %sub3A_302 = arith.constant 15 : i32
        %sub3A_303 = arith.subi %sub3A_302, %scan3A_298 : i32
        %mul3A_304 = arith.constant 16 : i32
        %mul3A_305 = arith.muli %add3A_233, %mul3A_304 : i32
        %add3A_306 = arith.addi %mul3A_305, %sub3A_303 : i32
        %mul3A_307 = arith.constant 16 : i32
        %mul3A_308 = arith.muli %add3A_306, %mul3A_307 : i32
        %get3A_309 = arith.index_cast %mul3A_308 : i32 to index
        %get3A_310 = tpu.vector_load %arg5[%get3A_309] {strides = array<i32>} : memref<65536xi32, #tpu.memory_space<vmem>>, vector<16xi32>,
        %reduce_sum3A_311 = arith.constant true
        %reduce_sum3A_312 = vector.broadcast %reduce_sum3A_311 : i1 to vector<16xi1>
        %reduce_sum3A_313 = tpu.scan <sum>, %get3A_310 masked %reduce_sum3A_312 : vector<16xi32>, vector<16xi1> -> vector<16xi32>
        %reduce_sum3A_314 = vector.extract %reduce_sum3A_313[15] : i32 from vector<16xi32>
        %lt3A_315 = arith.cmpi slt, %scan3A_299, %sub3A_230 : i32
        %add3A_316 = arith.addi %scan3A_299, %reduce_sum3A_314 : i32
        %ge3A_317 = arith.cmpi sge, %add3A_316, %sub3A_230 : i32
        %and3A_318 = arith.andi %lt3A_315, %ge3A_317 : i1
        %select_n3A_319 = arith.select %and3A_318, %sub3A_303, %scan3A_300 : i32
        %select_n3A_320 = arith.select %and3A_318, %scan3A_299, %scan3A_301 : i32
        %add3A_321 = arith.addi %scan3A_299, %reduce_sum3A_314 : i32
        scf.yield %add3A_321, %select_n3A_319, %select_n3A_320 : i32, i32, i32
      }
      %scan3A_242 = arith.constant 16 : i32
      %sub3A_243 = arith.subi %sub3A_230, %scan3A_241#2 : i32
      %mul3A_244 = arith.constant 16 : i32
      %mul3A_245 = arith.muli %add3A_233, %mul3A_244 : i32
      %add3A_246 = arith.addi %mul3A_245, %scan3A_241#1 : i32
      %mul3A_247 = arith.constant 16 : i32
      %mul3A_248 = arith.muli %add3A_246, %mul3A_247 : i32
      %get3A_249 = arith.index_cast %mul3A_248 : i32 to index
      %get3A_250 = tpu.vector_load %arg5[%get3A_249] {strides = array<i32>} : memref<65536xi32, #tpu.memory_space<vmem>>, vector<16xi32>,
      %rev3A_251 = arith.constant 15 : i32
      %rev3A_252 = vector.broadcast %rev3A_251 : i32 to vector<16xi32>
      %rev3A_253 = tpu.iota {dimensions = array<i32: 0>} : vector<16xi32>
      %rev3A_254 = arith.subi %rev3A_252, %rev3A_253 : vector<16xi32>
      %rev3A_255 = tpu.dynamic_gather %get3A_250[%rev3A_254] in [0] : vector<16xi32>, vector<16xi32> -> vector<16xi32>
      %cumsum3A_256 = arith.constant true
      %cumsum3A_257 = vector.broadcast %cumsum3A_256 : i1 to vector<16xi1>
      %cumsum3A_258 = tpu.scan <sum>, %rev3A_255 masked %cumsum3A_257 : vector<16xi32>, vector<16xi1> -> vector<16xi32>
      %ge3A_259 = vector.broadcast %sub3A_243 : i32 to vector<16xi32>
      %ge3A_260 = arith.cmpi sge, %cumsum3A_258, %ge3A_259 : vector<16xi32>
      %convert_element_type3A_261 = arith.extui %ge3A_260 : vector<16xi1> to vector<16xi32>
      %reduce_sum3A_262 = arith.constant true
      %reduce_sum3A_263 = vector.broadcast %reduce_sum3A_262 : i1 to vector<16xi1>
      %reduce_sum3A_264 = tpu.scan <sum>, %convert_element_type3A_261 masked %reduce_sum3A_263 : vector<16xi32>, vector<16xi1> -> vector<16xi32>
      %reduce_sum3A_265 = vector.extract %reduce_sum3A_264[15] : i32 from vector<16xi32>
      %sub3A_266 = arith.constant 16 : i32
      %sub3A_267 = arith.subi %sub3A_266, %reduce_sum3A_265 : i32
      %sub3A_268 = arith.constant 15 : i32
      %sub3A_269 = arith.subi %sub3A_268, %sub3A_267 : i32
      %lt3A_270 = vector.broadcast %sub3A_267 : i32 to vector<16xi32>
      %lt3A_271 = arith.cmpi slt, %iota3A_207, %lt3A_270 : vector<16xi32>
      %jit3A_272 = arith.constant 0 : i32
      %broadcast_in_dim3A_273 = vector.broadcast %jit3A_272 : i32 to vector<16xi32>
      %select_n3A_274 = arith.select %lt3A_271, %rev3A_255, %broadcast_in_dim3A_273 : vector<16xi1>, vector<16xi32>
      %reduce_sum3A_275 = arith.constant true
      %reduce_sum3A_276 = vector.broadcast %reduce_sum3A_275 : i1 to vector<16xi1>
      %reduce_sum3A_277 = tpu.scan <sum>, %select_n3A_274 masked %reduce_sum3A_276 : vector<16xi32>, vector<16xi1> -> vector<16xi32>
      %reduce_sum3A_278 = vector.extract %reduce_sum3A_277[15] : i32 from vector<16xi32>
      %mul3A_279 = arith.constant 16 : i32
      %mul3A_280 = arith.muli %add3A_246, %mul3A_279 : i32
      %add3A_281 = arith.addi %mul3A_280, %sub3A_269 : i32
      %sub3A_282 = arith.subi %sub3A_243, %reduce_sum3A_278 : i32
      %parallel_loop3A_283 = arith.constant 0 : i32
      %parallel_loop3A_284 = arith.constant 4096 : i32
      %parallel_loop3A_285 = arith.constant 1 : i32
      scf.for %parallel_loop3A_298 = %parallel_loop3A_283 to %parallel_loop3A_284 step %parallel_loop3A_285  : i32 {
        %parallel_loop3A_299 = arith.constant 16 : i32
        %parallel_loop3A_300 = arith.muli %parallel_loop3A_298, %parallel_loop3A_299 : i32
        %parallel_loop3A_301 = arith.index_cast %parallel_loop3A_300 : i32 to index
        %parallel_loop3A_302 = tpu.vector_load %arg5[%parallel_loop3A_301] {strides = array<i32>} : memref<65536xi32, #tpu.memory_space<vmem>>, vector<16xi32>,
        tpu.vector_store %arg5[%parallel_loop3A_301], %broadcast_in_dim3A_5 {strides = array<i32>} : memref<65536xi32, #tpu.memory_space<vmem>>, vector<16xi32>,
      } {sc.loop_unroll_factor = 8 : i64, sc.parallel_access}
      %shift_left3A = arith.constant 16 : i32
      %shift_left3A_286 = arith.shli %add3A_141, %shift_left3A : i32
      %or3A = arith.ori %shift_left3A_286, %add3A_281 : i32
      %broadcast_in_dim3A_287 = vector.broadcast %or3A : i32 to vector<16xi32>
      %lt3A_288 = arith.constant 0 : i32
      %lt3A_289 = vector.broadcast %lt3A_288 : i32 to vector<16xi32>
      %lt3A_290 = arith.cmpi slt, %broadcast_in_dim3A_287, %lt3A_289 : vector<16xi32>
      %xor3A = arith.constant -2147483648 : i32
      %xor3A_291 = vector.broadcast %xor3A : i32 to vector<16xi32>
      %xor3A_292 = arith.xori %broadcast_in_dim3A_287, %xor3A_291 : vector<16xi32>
      %not3A = arith.constant dense<-1> : vector<16xi32>
      %not3A_293 = arith.xori %broadcast_in_dim3A_287, %not3A : vector<16xi32>
      %select_n3A_294 = arith.select %lt3A_290, %xor3A_292, %not3A_293 : vector<16xi1>, vector<16xi32>
      %eq3A_295 = vector.broadcast %scan3A_18 : i32 to vector<16xi32>
      %eq3A_296 = arith.cmpi eq, %iota3A, %eq3A_295 : vector<16xi32>
      %select_n3A_297 = arith.select %eq3A_296, %select_n3A_294, %scan3A_19 : vector<16xi1>, vector<16xi32>
      scf.yield %select_n3A_297 : vector<16xi32>
    }
    %scan3A_14 = arith.constant 4 : i32
    %swap3A = arith.constant 0 : index
    %swap3A_15 = tpu.vector_load %arg7[%swap3A] {strides = array<i32>} : memref<16xi32, #tpu.memory_space<vmem>>, vector<16xi32>,
    tpu.vector_store %arg7[%swap3A], %scan3A_13 {strides = array<i32>} : memref<16xi32, #tpu.memory_space<vmem>>, vector<16xi32>,
    %mul3A_16 = arith.constant 16 : i32
    %mul3A_17 = arith.muli %add3A, %mul3A_16 : i32
    "tpu.region"() ({
      %run_scoped3A = tpu.sem_alloc : memref<!tpu.dma_semaphore, #tpu.memory_space<semaphore_mem>>
      %dma_start3A = tpu.memref_slice %arg3[%mul3A_17] : memref<512xi32, #tpu.memory_space<hbm>> -> memref<16xi32, #tpu.memory_space<hbm>>
      %dma_start3A_18 = tpu.memref_slice %arg3[%mul3A_17] : memref<512xi32, #tpu.memory_space<hbm>> -> memref<16xi32, #tpu.memory_space<hbm>>
      tpu.enqueue_dma source(%arg7 : memref<16xi32, #tpu.memory_space<vmem>>) target(%dma_start3A_18 : memref<16xi32, #tpu.memory_space<hbm>>) target_semaphore(%run_scoped3A : memref<!tpu.dma_semaphore, #tpu.memory_space<semaphore_mem>>)
      %dma_wait3A = tpu.memref_slice %arg3[%mul3A_17] : memref<512xi32, #tpu.memory_space<hbm>> -> memref<16xi32, #tpu.memory_space<hbm>>
      %dma_wait3A_19 = tpu.memref_slice %arg3[%mul3A_17] : memref<512xi32, #tpu.memory_space<hbm>> -> memref<16xi32, #tpu.memory_space<hbm>>
      tpu.wait_dma2 semaphore(%run_scoped3A : memref<!tpu.dma_semaphore, #tpu.memory_space<semaphore_mem>>) src(%arg7 : memref<16xi32, #tpu.memory_space<vmem>>) dst(%dma_wait3A_19 : memref<16xi32, #tpu.memory_space<hbm>>)
      tpu.yield
    }) : () -> ()
    return
  }
}

module attributes {stable_mosaic.version = 14 : i64} {
  func.func @_mask_body(%arg0: i32, %arg1: memref<4x1x1xf32, #tpu.memory_space<vmem>>, %arg2: memref<4x8x32768xf32, #tpu.memory_space<vmem>>, %arg3: memref<4x8x32768xf32, #tpu.memory_space<vmem>>) attributes {dimension_semantics = [#tpu.dimension_semantics<arbitrary>], iteration_bounds = array<i64: 32>, scalar_prefetch = 0 : i64, scratch_operands = 0 : i64, tpu.core_type = #tpu.core_type<tc>, window_params = [{transform_indices = @transform_0, window_bounds = array<i64: 4, 1, 1>}, {transform_indices = @transform_1, window_bounds = array<i64: 4, 8, 32768>}, {transform_indices = @transform_2, window_bounds = array<i64: 4, 8, 32768>}]} {
    %get3A = arith.constant 0 : index
    %get3A_0 = arith.constant 0 : index
    %get3A_1 = arith.constant 0 : index
    %get3A_2 = vector.load %arg2[%get3A, %get3A_0, %get3A_1] : memref<4x8x32768xf32, #tpu.memory_space<vmem>>, vector<4x8x32768xf32>
    %get3A_3 = arith.constant 0 : index
    %get3A_4 = arith.constant 0 : index
    %get3A_5 = arith.constant 0 : index
    %get3A_6 = vector.load %arg1[%get3A_3, %get3A_4, %get3A_5] : memref<4x1x1xf32, #tpu.memory_space<vmem>>, vector<4x1x1xf32>
    %lt3A = vector.broadcast %get3A_6 : vector<4x1x1xf32> to vector<4x8x32768xf32>
    %lt3A_7 = arith.cmpf olt, %get3A_2, %lt3A : vector<4x8x32768xf32>
    %jit3A = arith.constant 0.000000e+00 : f32
    %broadcast_in_dim3A = vector.broadcast %jit3A : f32 to vector<4x8x32768xf32>
    %select_n3A = arith.select %lt3A_7, %get3A_2, %broadcast_in_dim3A : vector<4x8x32768xi1>, vector<4x8x32768xf32>
    %swap3A = arith.constant 0 : index
    %swap3A_8 = arith.constant 0 : index
    %swap3A_9 = arith.constant 0 : index
    %swap3A_10 = vector.load %arg3[%swap3A, %swap3A_8, %swap3A_9] : memref<4x8x32768xf32, #tpu.memory_space<vmem>>, vector<4x8x32768xf32>
    tpu.vector_store %arg3[%swap3A, %swap3A_8, %swap3A_9], %select_n3A {strides = array<i32>} : memref<4x8x32768xf32, #tpu.memory_space<vmem>>, vector<4x8x32768xf32>,
    return
  }
  func.func @transform_0(%arg0: i32) -> (i32, i32, i32) {
    %c0_i32 = arith.constant 0 : i32
    %c0_i32_0 = arith.constant 0 : i32
    %c0_i32_1 = arith.constant 0 : i32
    return %arg0, %c0_i32, %c0_i32_0 : i32, i32, i32
  }
  func.func @transform_1(%arg0: i32) -> (i32, i32, i32) {
    %c0_i32 = arith.constant 0 : i32
    %c0_i32_0 = arith.constant 0 : i32
    %c0_i32_1 = arith.constant 0 : i32
    return %arg0, %c0_i32, %c0_i32_0 : i32, i32, i32
  }
  func.func @transform_2(%arg0: i32) -> (i32, i32, i32) {
    %c0_i32 = arith.constant 0 : i32
    %c0_i32_0 = arith.constant 0 : i32
    %c0_i32_1 = arith.constant 0 : i32
    return %arg0, %c0_i32, %c0_i32_0 : i32, i32, i32
  }
}

</mosaic_0001>

<sc_bundles>
// kernel: kernel.4.cloned.1.call-start
scs
__scs_entry_jumppad:
0x0: {  	(pc) =	sbr.rel $0x88, $3  }
0x1: {  	(tag) =	ssettag $0x0;
	lr =	simm.s32 $0x1  }
0x2: {  	[smem:$0x3FA0] =	sst lr;
	_ =	strace $0xD0000000  }
0x3: {  	_ = 	snop  }
0x4: {  	_ = 	snop  }
0x5: {  	_ = 	snop  }
0x6: {  	_ = 	snop  }
0x7: {  	_ = 	snop  }
__scs_overlays_trampoline_lowered:
0x8: {  	[smem:$0x3FAF] =	sst s0  }
0x9: {  	[smem:$0x3FB0] =	sst s1  }
0xa: {  	[smem:$0x3FB1] =	sst s2  }
0xb: {  	[smem:$0x3FB2] =	sst s3  }
0xc: {  	[smem:$0x3FB3] =	sst s4  }
0xd: {  	[smem:$0x3FB4] =	sst s5  }
0xe: {  	[smem:$0x3FB5] =	sst s6  }
0xf: {  	[smem:$0x3FB6] =	sst s7  }
0x10: {  	[smem:$0x3FB7] =	sst s8  }
0x11: {  	[smem:$0x3FB8] =	sst s9;
	s0 =	simm.s32 @!p0 $0x0  }
0x12: {  	s1 =	sld [smem:$0x3F9E];
	s0 =	simm.s32 @p0 $0x1  }
0x13: {  	[smem:$0x3FB9] =	sst s0;
	s0 =	simm.s32 @!p1 $0x0  }
0x14: {  	s2 =	sld [smem:$0x3F9D];
	s0 =	simm.s32 @p1 $0x1  }
0x15: {  	[smem:$0x3FBA] =	sst s0;
	s0 =	simm.s32 @!p2 $0x0  }
0x16: {  	s3 =	sld [smem:$0x3FDB];
	s0 =	simm.s32 @p2 $0x1  }
0x17: {  	s4 =	simm.s32 $0x1BF5;
	[smem:$0x3FBC] =	sst s0  }
0x18: {  	s0 =	sld [smem:$0x3F9F];
	_ =	swait.ge [sflag:s4], $0x0  }
0x19: {  	s7 =	sld [smem:$0x3FA0]  }
0x1a: {  	s8 =	sadd.s32 $0xFFFFE003, lr  }
0x1b: {  	s9 =	sadd.s32 $0xFFFFFEF7, lr;
	s5 =	simm.s32 $0xFFFFFFFF;
	p2 =	slt.u32 s8, $0xFFFFF086  }
0x1c: {  	p1 =	slt.u32 s9, $0xF7A;
	s5 =	simm.s32 @!p2 $0x0  }
0x1d: {  	s5 =	simm.s32 @p1 $0x1;
	p0 =	seq.s32 s7, s2  }
0x1e: {  	s7 =	smul.u32 @!p0 $0xF7A, s2;
	p2 =	seq.s32 @!p0 s5, $0x0  }
0x1f: {  	s9 =	smul.u32 $0xF7A, s1;
	s8 =	simm.s32 @!p0 $0x1BF5;
	p2 =	por !p2, p0  }
0x20: {  	[sflag:s8] =	ssyncset.s32 @!p0 $0xFFFFF086;
	s6 =	sadd.s32 @!p0 s3, s7;
	s7 =	simm.s32 @!p0 $0x108  }
0x21: {  	s3 =	sadd.s32 s3, s9;
	s6 =	sadd.s32 @!p0 $0x88, s6;
	s7 =	simm.s32 @p2 $0x1082  }
0x22: {  	[simem:s7], [sflag:s8] =	dma.local @!p0 [hbm:s6], $0xF7A  }
0x23: {  	s9 =	sor.u32 $0xD0000000, s2;
	s6 =	simm.s32 $0x108;
	_ =	swait.ge @!p0 [sflag:s8], $0x0  }
0x24: {  	s3 =	sadd.s32 $0x88, s3;
	s6 =	simm.s32 @!p1 $0x1082;
	[sflag:s4] =	ssyncset.s32 $0xFFFFF086  }
0x25: {  	[simem:s6], [sflag:s4] =	dma.local [hbm:s3], $0xF7A  }
0x26: {  	[smem:$0x3FA0] =	sst s1;
	(tag) =	ssettag s2;
	_ =	strace s9  }
0x27: {  	s1 =	sld [smem:$0x3FB0]  }
0x28: {  	s2 =	sld [smem:$0x3FB1]  }
0x29: {  	s4 =	sld [smem:$0x3FB3]  }
0x2a: {  	p0 =	seq.s32 s5, $0x0;
	s5 =	sld [smem:$0x3FB4]  }
0x2b: {  	s6 =	sld [smem:$0x3FB5]  }
0x2c: {  	s7 =	sld [smem:$0x3FB6]  }
0x2d: {  	s3 =	simm.s32 $0x108;
	s8 =	sld [smem:$0x3FB7]  }
0x2e: {  	s3 =	simm.s32 @!p0 $0x1082;
	s9 =	sld [smem:$0x3FB8]  }
0x2f: {  	lr =	sadd.s32 s0, s3;
	s0 =	sld [smem:$0x3FAF]  }
0x30: {  	s3 =	sld [smem:$0x3FB2]  }
0x31: {  	[smem:$0x3FBB] =	sst s10  }
0x32: {  	s10 =	sld [smem:$0x3FB9];
	_ =	sdelay $0x3  }
0x33: {  	p0 =	seq.s32 s10, $0x1;
	s10 =	sld [smem:$0x3FBB];
	_ =	sdelay $0x3  }
0x34: {  	[smem:$0x3FBB] =	sst s10  }
0x35: {  	s10 =	sld [smem:$0x3FBA];
	_ =	sdelay $0x3  }
0x36: {  	p1 =	seq.s32 s10, $0x1;
	s10 =	sld [smem:$0x3FBB];
	_ =	sdelay $0x3  }
0x37: {  	[smem:$0x3FBB] =	sst s10  }
0x38: {  	s10 =	sld [smem:$0x3FBC]  }
0x39: {  	_ = 	snop;
	(pc) =	sbr.ind lr, $3  }
0x3a: {  	_ = 	snop  }
0x3b: {  	_ = 	snop  }
0x3c: {  	p2 =	seq.s32 s10, $0x1;
	s10 =	sld [smem:$0x3FBB]  }
0x3d: {  	_ =	shalt  }
0x3e: {  	_ =	shalt  }
0x3f: {  	_ =	shalt  }
0x40: {  	_ =	shalt  }
0x41: {  	_ =	shalt  }
0x42: {  	_ =	shalt  }
0x43: {  	_ =	shalt  }
0x44: {  	_ =	shalt  }
0x45: {  	_ =	shalt  }
0x46: {  	_ =	shalt  }
0x47: {  	_ =	shalt  }
0x48: {  	_ =	shalt  }
0x49: {  	_ =	shalt  }
0x4a: {  	_ =	shalt  }
0x4b: {  	_ =	shalt  }
0x4c: {  	_ =	shalt  }
0x4d: {  	_ =	shalt  }
0x4e: {  	_ =	shalt  }
0x4f: {  	_ =	shalt  }
0x50: {  	_ =	shalt  }
0x51: {  	_ =	shalt  }
0x52: {  	_ =	shalt  }
0x53: {  	_ =	shalt  }
0x54: {  	_ =	shalt  }
0x55: {  	_ =	shalt  }
0x56: {  	_ =	shalt  }
0x57: {  	_ =	shalt  }
0x58: {  	_ =	shalt  }
0x59: {  	_ =	shalt  }
0x5a: {  	_ =	shalt  }
0x5b: {  	_ =	shalt  }
0x5c: {  	_ =	shalt  }
0x5d: {  	_ =	shalt  }
0x5e: {  	_ =	shalt  }
0x5f: {  	_ =	shalt  }
0x60: {  	_ =	shalt  }
0x61: {  	_ =	shalt  }
0x62: {  	_ =	shalt  }
0x63: {  	_ =	shalt  }
0x64: {  	_ =	shalt  }
0x65: {  	_ =	shalt  }
0x66: {  	_ =	shalt  }
0x67: {  	_ =	shalt  }
0x68: {  	_ =	shalt  }
0x69: {  	_ =	shalt  }
0x6a: {  	_ =	shalt  }
0x6b: {  	_ =	shalt  }
0x6c: {  	_ =	shalt  }
0x6d: {  	_ =	shalt  }
0x6e: {  	_ =	shalt  }
0x6f: {  	_ =	shalt  }
0x70: {  	_ =	shalt  }
0x71: {  	_ =	shalt  }
0x72: {  	_ =	shalt  }
0x73: {  	_ =	shalt  }
0x74: {  	_ =	shalt  }
0x75: {  	_ =	shalt  }
0x76: {  	_ =	shalt  }
0x77: {  	_ =	shalt  }
0x78: {  	_ =	shalt  }
0x79: {  	_ =	shalt  }
0x7a: {  	_ =	shalt  }
0x7b: {  	_ =	shalt  }
0x7c: {  	_ =	shalt  }
0x7d: {  	_ =	shalt  }
0x7e: {  	_ =	shalt  }
0x7f: {  	_ =	shalt  }
0x80: {  	_ =	shalt  }
0x81: {  	_ =	shalt  }
0x82: {  	_ =	shalt  }
0x83: {  	_ =	shalt  }
0x84: {  	_ =	shalt  }
0x85: {  	_ =	shalt  }
0x86: {  	_ =	shalt  }
0x87: {  	_ =	shalt  }
.Lfunc_end0:
.L_simem_size_0:
called_computation_lowered:
.L_overlay_start_0:
0x88: {  	s2 =	sld [smem:$0x3FD9]  }
0x89: {  	s3 =	sld [smem:$0x3FFE];
	_ =	sdelay $0x1  }
0x8a: {  	s1 =	srdreg.scid  }
0x8b: {  	s0 =	sand.u32 $0x1, s1  }
0x8c: {  	s18 =	sshll.u32 s0, $0xA;
	s2 =	sadd.s32 s3, s2  }
0x8d: {  	s2 =	sadd.s32 s2, s18  }
0x8e: {  	[smem:$0x3FC7] =	sst s2  }
0x8f: {  	_ = 	snop  }
0x90: {  	s2 =	sld [smem:$0x3FC9]  }
0x91: {  	s19 =	sld [smem:$0x3FD0];
	(tm) =	ssettm $0x1  }
0x92: {  	s4 =	sld [smem:$0x3FFB];
	_ =	sdelay $0x3  }
0x93: {  	_ =	strace s4  }
0x94: {  	s4 =	sld [smem:$0x3FFC];
	_ =	sdelay $0x3  }
0x95: {  	_ =	strace s4  }
0x96: {  	s4 =	sld [smem:$0x3FFD];
	_ =	sdelay $0x3  }
0x97: {  	_ =	strace s4  }
0x98: {  	_ =	strace $0x8FFFFFFF  }
0x99: {  	s20 =	sld [smem:$0x3FDB];
	_ =	sdelay $0x1  }
0x9a: {  	s5 =	simm.s32 $_scs_section_size  }
0x9b: {  	s6 =	simm.s32 $_size__tile_overlayer_lowered;
	s7 =	simm.s32 $_tile_overlayer_lowered  }
0x9c: {  	s23 =	simm.s32 $0x1BFF;
	s22 =	sshll.u32 s7, $0x1;
	s4 =	sadd.s32 s5, s20  }
0x9d: {  	s8 =	simm.s32 $0x0;
	s21 =	sshll.u32 s6, $0x1;
	s6 =	sadd.s32 s22, s4  }
0x9e: {  	[timem:s8], [sflag:s23] =	dma.local [hbm:s6], s21  }
0x9f: {  	_ =	swait.ge [sflag:s23], s21  }
0xa0: {  	s5 =	ssub.s32 $0x0, s21;
	[sflag:s23] =	ssyncset.done $0x0  }
0xa1: {  	[sflag:s23] =	ssyncadd.s32 s5;
	_ =	sdelay $0x1  }
0xa2: {  	s24 =	simm.s32 $0x1B8B  }
0xa3: {  	_ =	swait.ge [sflag:s24], $0x1  }
0xa4: {  	[sflag:s24] =	ssyncset.done $0x0  }
0xa5: {  	s25 =	simm.s32 $0x1B8E;
	[sflag:s24] =	ssyncadd.s32 $0xFFFFFFFF  }
0xa6: {  	s26 =	simm.s32 $execute0_lowered;
	[smem:$0x3FD2] =	sst s25  }
0xa7: {  	s5 =	sshll.u32 s26, $0x1;
	_ =	strace $0x80000046;
	[dreg:$0x1] =	wrdreg $0xFFFFFFFF  }
0xa8: {  	s28 =	simm.s32 $_size_execute0_lowered;
	s4 =	sadd.s32 s4, s5;
	[dreg:$0x0] =	wrdreg $0x0  }
0xa9: {  	s5 =	sshll.u32 s28, $0x1;
	[dreg:$0x2] =	wrdreg s4  }
0xaa: {  	[dreg:$0x3] =	wrdreg s5  }
0xab: {  	[dreg:$0x4] =	wrdreg $0xC0  }
0xac: {  	_ =	task [dreg:s8], $0x5FFFF  }
0xad: {  	[dreg:$0x1] =	wrdreg $0xFFFFFFFF  }
0xae: {  	[dreg:$0x0] =	wrdreg $0x60  }
0xaf: {  	[dreg:$0x2] =	wrdreg s2  }
0xb0: {  	[dreg:$0x3] =	wrdreg s19  }
0xb1: {  	[dreg:$0x4] =	wrdreg $0x9  }
0xb2: {  	_ =	task.clear_ibuf [dreg:s8], $0x5FFFF;
	_ =	strace $0x90000046  }
0xb3: {  	s29 =	simm.s32 $0x9;
	_ =	strace $0x80000048  }
0xb4: {  	_ =	swait.ge [sflag:s29], $0x1  }
0xb5: {  	[sflag:s29] =	ssyncadd.s32 $0xFFFFFFFF  }
0xb6: {  	_ =	strace $0x90000048  }
0xb7: {  	_ =	sfence  }
0xb8: {  	s30 =	sld [smem:$0x0];
	_ =	sdelay $0x2  }
0xb9: {  	s31 =	sshll.u32 s1, $0xD;
	s1 =	sshrl.u32 s1, $0x2  }
0xba: {  	s3 =	sand.u32 $0x4000, s31;
	s1 =	sadd.s32 s1, s30  }
0xbb: {  	s0 =	sor.u32 s3, s0;
	s1 =	sshll.u32 s1, $0x11  }
0xbc: {  	s0 =	sor.u32 s1, s0  }
0xbd: {  	s0 =	sadd.s32 $0x8F2B, s0  }
0xbe: {  	[sflag:s0] =	ssyncadd.remote.s32 $0x1  }
0xbf: {  	_ =	sfence.sel $0xFFFF  }
0xc0: {  	[dreg:$0x0] =	wrdreg $0xFFFFFFFF;
	(pc) =	sbr.abs _section_cstart, $3  }
0xc1: {  	[dreg:$0x1] =	wrdreg $0xFFFFFFFF  }
0xc2: {  	_ =	task.clear_ibuf [dreg:s8], $0x2FFFF;
	_ =	strace $0x9FFFFFFF  }
0xc3: {  	(tm) =	ssettm $0x7FFFFFFF  }
tec
execute0_lowered:
.L_overlay_start_1:
0x0: {  	(tag) =	ssettag $0x1  }
0x1: {  	s1 =	rddreg [dreg:$0x0]  }
0x2: {  	s6 =	rddreg [dreg:$0x1];
	s4 =	srdreg.scid;
	s3 =	simm.s32 $0x0  }
0x3: {  	s0 =	stileid.u32;
	s9 =	simm.s32 $0x400;
	s10 =	simm.s32 $0x8000  }
0x4: {  	s11 =	simm.s32 $0x19000;
	s12 =	simm.s32 $0x3;
	s13 =	simm.s32 $0x0  }
0x5: {  	s14 =	simm.s32 $0x0;
	s4 =	sand.u32 $0x1, s4;
	s7 =	sshll.u32 s0, $0x1  }
0x6: {  	v0 =	vlaneseq.u32;
	[smem:$0x7FF] =	sst s3;
	s5 =	ssub.s32 $0x2, s4;
	s7 =	sor.u32 s4, s7  }
0x7: {  	v2 =	vmul.u32 $0xFFFFFFFF, v0;
	_ =	strace $0x80000047;
	s8 =	sshrl.u32 s5, $0x1;
	s4 =	sshll.u32 s7, $0x14  }
0x8: {  	v1 =	vimm.s32 $0x1;
	s7 =	sshll.u32 s7, $0x1;
	s8 =	ssub.s32 s5, s8;
	s5 =	sadd.s32 $0x4000, s1  }
0x9: {  	v3 =	vimm.s32 $0x0;
	v4 =	vimm.s32 $0x80000000;
	v2 =	vadd.s32 $0xF, v2;
	s6 =	sadd.s32 s6, s7;
	s7 =	smax.u32 s8, $0x1;
	s8 =	simm.s32 $0x80  }
.LBB2_1:
0xa: {  	s15 =	simm.s32 $0x8040  }
0xb: {  	[tilespmem:s15+$0x30] =	vst v3  }
0xc: {  	[tilespmem:s15+$0xFFFFFFC0] =	vst v3  }
0xd: {  	[tilespmem:s15+$0xFFFFFFD0] =	vst v3  }
0xe: {  	[tilespmem:s15+$0xFFFFFFE0] =	vst v3  }
0xf: {  	[tilespmem:s15+$0xFFFFFFF0] =	vst v3  }
0x10: {  	[tilespmem:s15+$0x0] =	vst v3  }
0x11: {  	s16 =	simm.s32 $0x0;
	v5 =	vimm.s32 $0x0;
	[tilespmem:s15+$0x10] =	vst v3  }
.LBB2_2:
0x12: {  	s16 =	sadd.s32 $0x8, s16;
	[tilespmem:s15+$0x20] =	vst v5;
	v5 =	vimm.s32 $0x0;
	s15 =	sadd.s32 $0x80, s15  }
0x13: {  	[tilespmem:s15+$0x30] =	vst v5;
	p0 =	slt.u32 s16, $0xFF8  }
0x14: {  	[tilespmem:s15+$0xFFFFFFC0] =	vst v5  }
.Ltmp0:
0x15: {  	[tilespmem:s15+$0xFFFFFFD0] =	vst v5;
	(pc) =	sbr.rel @p0 .LBB2_2-.Ltmp0, $4  }
0x16: {  	[tilespmem:s15+$0xFFFFFFE0] =	vst v5  }
0x17: {  	[tilespmem:s15+$0xFFFFFFF0] =	vst v5  }
0x18: {  	[tilespmem:s15+$0x0] =	vst v5  }
0x19: {  	[tilespmem:s15+$0x10] =	vst v5  }
0x1a: {  	[tilespmem:s15+$0x20] =	vst v5;
	s15 =	simm.s32 $0x0  }
.LBB2_4:
0x1b: {  	s16 =	sshll.u32 s15, $0x12  }
0x1c: {  	s16 =	sadd.s32 s4, s16  }
0x1d: {  	s17 =	sshrl.u32 s16, $0x3  }
0x1e: {  	p0 =	por $0x0, $0x0;
	s18 =	simm.s32 $0x0;
	s17 =	sadd.s32 s1, s17  }
0x1f: {  	[tilespmem:s14], [sflag:$0x1] =	stream.strided.gather [hbm4b:s17+s8], $0x4000, s9, s8, $0x38;
	[tilespmem:$0x19080] =	vst v63  }
.LBB2_5:
0x20: {  	s19 =	sand.u32 $0x1, s18  }
0x21: {  	p1 =	seq.s32 s18, $0xF;
	p2 =	seq.s32 s19, $0x1  }
0x22: {  	s18 =	sadd.s32 $0x1, s18;
	p1 =	por !p2, p1  }
0x23: {  	s20 =	sshll.u32 @!p1 s18, $0xE  }
0x24: {  	s21 =	sshll.u32 @!p1 s18, $0x6;
	s20 =	sand.u32 @!p1 $0x40000, s20  }
0x25: {  	s21 =	sand.u32 @!p1 $0x380, s21;
	s20 =	sadd.s32 @!p1 s16, s20  }
0x26: {  	s20 =	sor.u32 @!p1 s21, s20  }
0x27: {  	s31 =	sand.u32 $0x1, s18;
	s22 =	simm.s32 @!p1 $0x400;
	s20 =	sshrl.u32 @!p1 s20, $0x3  }
0x28: {  	s23 =	simm.s32 @!p1 $0x0;
	s21 =	simm.s32 @!p1 $0x80;
	s20 =	sadd.s32 @!p1 s1, s20  }
0x29: {  	[tilespmem:s23], [sflag:$0x1] =	stream.strided.gather @!p1 [hbm4b:s20+s21], $0x4000, s22, s21, $0x38;
	[tilespmem:$0x19080] =	vst v63  }
0x2a: {  	p1 =	seq.s32 s31, $0x0  }
0x2b: {  	s20 =	sshll.u32 @!p1 s18, $0xE  }
0x2c: {  	s21 =	sshll.u32 @!p1 s18, $0x6;
	s20 =	sand.u32 @!p1 $0x40000, s20  }
0x2d: {  	s21 =	sand.u32 @!p1 $0x380, s21;
	s20 =	sadd.s32 @!p1 s16, s20  }
0x2e: {  	s20 =	sor.u32 @!p1 s21, s20  }
0x2f: {  	s22 =	simm.s32 @!p1 $0x400;
	s20 =	sshrl.u32 @!p1 s20, $0x3  }
0x30: {  	s23 =	simm.s32 @!p1 $0x4000;
	s21 =	simm.s32 @!p1 $0x80;
	s20 =	sadd.s32 @!p1 s20, s5  }
0x31: {  	[tilespmem:s23], [sflag:$0x2] =	stream.strided.gather @!p1 [hbm4b:s20+s21], $0x4000, s22, s21, $0x38;
	[tilespmem:$0x19080] =	vst v63  }
0x32: {  	p1 =	seq.s32 s19, $0x0;
	s19 =	simm.s32 $0x1  }
0x33: {  	s20 =	simm.s32 $0x1;
	s19 =	simm.s32 @!p1 $0x2  }
0x34: {  	s20 =	simm.s32 @!p0 $0x0;
	_ =	swait.ge [sflag:s19], $0x4000  }
0x35: {  	s20 =	sshll.u32 s20, $0xE;
	[sflag:s19] =	ssyncset.done $0x0  }
0x36: {  	s20 =	sor.u32 $0x80, s20;
	[sflag:s19] =	ssyncadd.s32 $0xFFFFC000  }
0x37: {  	v6 =	vld [tilespmem:s20+$0x70]  }
0x38: {  	v7 =	vld [tilespmem:s20+$0xFFFFFF90]  }
0x39: {  	v8 =	vld [tilespmem:s20+$0xFFFFFFA0]  }
0x3a: {  	v16 =	vld [tilespmem:s20+$0xFFFFFFF0]  }
0x3b: {  	v17 =	vld [tilespmem:s20+$0x0]  }
0x3c: {  	v18 =	vld [tilespmem:s20+$0x10]  }
0x3d: {  	v19 =	vld [tilespmem:s20+$0x20];
	_ =	sdelay $0x2  }
0x3e: {  	v9 =	vld [tilespmem:s20+$0xFFFFFFB0];
	v12 =	vshra.s32 v6, $0x1F  }
0x3f: {  	v10 =	vld [tilespmem:s20+$0xFFFFFFC0];
	v13 =	vshra.s32 v7, $0x1F;
	v15 =	vshra.s32 v8, $0x1F;
	v20 =	vshra.s32 v16, $0x1F  }
0x40: {  	v21 =	vshra.s32 v17, $0x1F;
	v56 =	vshra.s32 v18, $0x1F;
	v22 =	vshra.s32 v19, $0x1F  }
0x41: {  	v11 =	vld [tilespmem:s20+$0xFFFFFFD0];
	v12 =	vor.u32 $0x80000000, v12;
	v13 =	vor.u32 $0x80000000, v13;
	v20 =	vor.u32 $0x80000000, v20  }
0x42: {  	v14 =	vld [tilespmem:s20+$0xFFFFFFE0];
	v22 =	vor.u32 $0x80000000, v22;
	v6 =	vxor.u32 v6, v12;
	v12 =	vor.u32 $0x80000000, v15  }
0x43: {  	v15 =	vshra.s32 v9, $0x1F;
	v7 =	vxor.u32 v7, v13;
	v16 =	vxor.u32 v16, v20  }
0x44: {  	v19 =	vxor.u32 v19, v22;
	v13 =	vor.u32 $0x80000000, v15;
	v15 =	vshra.s32 v10, $0x1F  }
0x45: {  	v23 =	vld [tilespmem:s20+$0x50];
	v6 =	vshrl.u32 v6, $0x10;
	v8 =	vxor.u32 v8, v12;
	v12 =	vor.u32 $0x80000000, v15  }
0x46: {  	v7 =	vshrl.u32 v7, $0x10;
	v15 =	vshra.s32 v11, $0x1F;
	v10 =	vxor.u32 v10, v12;
	v12 =	vld [tilespmem:s20+$0xFFFFFF80]  }
0x47: {  	v9 =	vxor.u32 v9, v13;
	v13 =	vor.u32 $0x80000000, v15;
	v15 =	vshra.s32 v14, $0x1F  }
0x48: {  	v8 =	vshrl.u32 v8, $0x10;
	v9 =	vshrl.u32 v9, $0x10;
	v15 =	vor.u32 $0x80000000, v15  }
0x49: {  	v11 =	vxor.u32 v11, v13;
	v13 =	vld [tilespmem:s20+$0x30];
	v10 =	vshrl.u32 v10, $0x10;
	v14 =	vxor.u32 v14, v15  }
0x4a: {  	v57 =	vld [tilespmem:s20+$0x40];
	v15 =	vor.u32 $0x80000000, v21;
	v21 =	vor.u32 $0x80000000, v56;
	v61 =	vshrl.u32 v11, $0x10  }
0x4b: {  	v24 =	vld [tilespmem:s20+$0x60];
	v11 =	vshra.s32 v23, $0x1F;
	v15 =	vxor.u32 v17, v15;
	v58 =	vshra.s32 v12, $0x1F  }
0x4c: {  	[tilespmem:v6+s10+$0x0] =	vst.idx.add.s32.msk $0xffff, v1;
	v6 =	vxor.u32 v18, v21;
	v11 =	vor.u32 $0x80000000, v11;
	v17 =	vor.u32 $0x80000000, v58  }
0x4d: {  	[tilespmem:v7+s10+$0x0] =	vst.idx.add.s32.msk $0xffff, v1;
	v14 =	vshrl.u32 v14, $0x10;
	v62 =	vxor.u32 v23, v11;
	v12 =	vxor.u32 v12, v17  }
0x4e: {  	[tilespmem:v8+s10+$0x0] =	vst.idx.add.s32.msk $0xffff, v1;
	v11 =	vshrl.u32 v6, $0x10;
	v59 =	vshra.s32 v13, $0x1F;
	v60 =	vshrl.u32 v12, $0x10  }
0x4f: {  	[tilespmem:v10+s10+$0x0] =	vst.idx.add.s32.msk $0xffff, v1;
	v10 =	vshrl.u32 v19, $0x10;
	v17 =	vor.u32 $0x80000000, v59;
	v12 =	vshra.s32 v57, $0x1F  }
0x50: {  	[tilespmem:v9+s10+$0x0] =	vst.idx.add.s32.msk $0xffff, v1;
	v7 =	vxor.u32 v13, v17;
	v8 =	vor.u32 $0x80000000, v12;
	v12 =	vshra.s32 v24, $0x1F  }
0x51: {  	[tilespmem:v61+s10+$0x0] =	vst.idx.add.s32.msk $0xffff, v1;
	v13 =	vshrl.u32 v16, $0x10;
	v8 =	vxor.u32 v57, v8;
	v9 =	vor.u32 $0x80000000, v12  }
0x52: {  	[tilespmem:v14+s10+$0x0] =	vst.idx.add.s32.msk $0xffff, v1;
	v12 =	vshrl.u32 v15, $0x10;
	v63 =	vxor.u32 v24, v9;
	v9 =	vshrl.u32 v7, $0x10  }
0x53: {  	s19 =	simm.s32 $0x0;
	s20 =	sadd.s32 $0x100, s20;
	v8 =	vshrl.u32 v8, $0x10;
	v7 =	vshrl.u32 v62, $0x10;
	v6 =	vshrl.u32 v63, $0x10;
	[tilespmem:v60+s10+$0x0] =	vst.idx.add.s32.msk $0xffff, v1  }
.LBB2_6:
0x54: {  	v14 =	vld [tilespmem:s20+$0x70];
	s19 =	sadd.s32 $0x10, s19  }
0x55: {  	v15 =	vld [tilespmem:s20+$0xFFFFFF90];
	p1 =	slt.u32 s19, $0x3F0  }
0x56: {  	v16 =	vld [tilespmem:s20+$0xFFFFFFA0]  }
0x57: {  	v17 =	vld [tilespmem:s20+$0xFFFFFFB0]  }
0x58: {  	v18 =	vld [tilespmem:s20+$0xFFFFFFC0]  }
0x59: {  	v19 =	vld [tilespmem:s20+$0xFFFFFFD0];
	v20 =	vshra.s32 v14, $0x1F  }
0x5a: {  	v21 =	vshra.s32 v15, $0x1F;
	v22 =	vld [tilespmem:s20+$0xFFFFFFE0];
	v20 =	vor.u32 $0x80000000, v20  }
0x5b: {  	v21 =	vor.u32 $0x80000000, v21;
	v23 =	vshra.s32 v16, $0x1F;
	v24 =	vld [tilespmem:s20+$0xFFFFFFF0];
	v14 =	vxor.u32 v14, v20  }
0x5c: {  	v20 =	vor.u32 $0x80000000, v23;
	v23 =	vshra.s32 v17, $0x1F;
	v25 =	vld [tilespmem:s20+$0x0];
	v14 =	vshrl.u32 v14, $0x10  }
0x5d: {  	v15 =	vxor.u32 v15, v21;
	v21 =	vor.u32 $0x80000000, v23;
	v23 =	vshra.s32 v18, $0x1F;
	v26 =	vld [tilespmem:s20+$0x10]  }
0x5e: {  	v16 =	vxor.u32 v16, v20;
	v20 =	vor.u32 $0x80000000, v23;
	v23 =	vshra.s32 v19, $0x1F;
	v27 =	vld [tilespmem:s20+$0x20]  }
0x5f: {  	v17 =	vxor.u32 v17, v21;
	v21 =	vor.u32 $0x80000000, v23;
	v23 =	vshra.s32 v22, $0x1F;
	v28 =	vld [tilespmem:s20+$0x30]  }
0x60: {  	v18 =	vxor.u32 v18, v20;
	v20 =	vor.u32 $0x80000000, v23;
	v23 =	vshra.s32 v24, $0x1F;
	v29 =	vld [tilespmem:s20+$0x40]  }
0x61: {  	v19 =	vxor.u32 v19, v21;
	v21 =	vor.u32 $0x80000000, v23;
	v23 =	vshra.s32 v25, $0x1F;
	[tilespmem:v14+s10+$0x0] =	vst.idx.add.s32.msk $0xffff, v1  }
0x62: {  	v14 =	vxor.u32 v22, v20;
	v20 =	vor.u32 $0x80000000, v23;
	v22 =	vshra.s32 v26, $0x1F;
	v23 =	vld [tilespmem:s20+$0x50]  }
0x63: {  	v21 =	vxor.u32 v24, v21;
	v22 =	vor.u32 $0x80000000, v22;
	v24 =	vshra.s32 v27, $0x1F;
	v30 =	vld [tilespmem:s20+$0x60]  }
0x64: {  	v20 =	vxor.u32 v25, v20;
	v31 =	vld [tilespmem:s20+$0xFFFFFF80];
	v24 =	vor.u32 $0x80000000, v24;
	v25 =	vshra.s32 v28, $0x1F  }
0x65: {  	v22 =	vxor.u32 v26, v22;
	v25 =	vor.u32 $0x80000000, v25;
	v26 =	vshra.s32 v29, $0x1F;
	[tilespmem:v13+s10+$0x0] =	vst.idx.add.s32.msk $0xffff, v1  }
0x66: {  	v24 =	vxor.u32 v27, v24;
	v25 =	vxor.u32 v28, v25;
	v13 =	vor.u32 $0x80000000, v26;
	[tilespmem:v12+s10+$0x0] =	vst.idx.add.s32.msk $0xffff, v1  }
0x67: {  	v12 =	vshrl.u32 v15, $0x10;
	v15 =	vxor.u32 v29, v13;
	v13 =	vshra.s32 v23, $0x1F;
	[tilespmem:v11+s10+$0x0] =	vst.idx.add.s32.msk $0xffff, v1  }
0x68: {  	v11 =	vshrl.u32 v16, $0x10;
	v13 =	vor.u32 $0x80000000, v13;
	v16 =	vshra.s32 v30, $0x1F;
	[tilespmem:v10+s10+$0x0] =	vst.idx.add.s32.msk $0xffff, v1  }
0x69: {  	v10 =	vshra.s32 v31, $0x1F;
	v23 =	vxor.u32 v23, v13;
	v13 =	vor.u32 $0x80000000, v16;
	[tilespmem:v9+s10+$0x0] =	vst.idx.add.s32.msk $0xffff, v1  }
0x6a: {  	v16 =	vshrl.u32 v17, $0x10;
	v9 =	vor.u32 $0x80000000, v10;
	v17 =	vxor.u32 v30, v13;
	[tilespmem:v8+s10+$0x0] =	vst.idx.add.s32.msk $0xffff, v1  }
0x6b: {  	v18 =	vshrl.u32 v18, $0x10;
	v19 =	vshrl.u32 v19, $0x10;
	v8 =	vxor.u32 v31, v9;
	[tilespmem:v7+s10+$0x0] =	vst.idx.add.s32.msk $0xffff, v1  }
0x6c: {  	v14 =	vshrl.u32 v14, $0x10;
	v13 =	vshrl.u32 v21, $0x10;
	v26 =	vshrl.u32 v8, $0x10;
	[tilespmem:v12+s10+$0x0] =	vst.idx.add.s32.msk $0xffff, v1  }
0x6d: {  	v10 =	vshrl.u32 v24, $0x10;
	v12 =	vshrl.u32 v20, $0x10;
	[tilespmem:v11+s10+$0x0] =	vst.idx.add.s32.msk $0xffff, v1;
	v11 =	vshrl.u32 v22, $0x10  }
0x6e: {  	v9 =	vshrl.u32 v25, $0x10;
	v7 =	vshrl.u32 v23, $0x10;
	v8 =	vshrl.u32 v15, $0x10;
	[tilespmem:v6+s10+$0x0] =	vst.idx.add.s32.msk $0xffff, v1  }
.Ltmp1:
0x6f: {  	v6 =	vshrl.u32 v17, $0x10;
	[tilespmem:v16+s10+$0x0] =	vst.idx.add.s32.msk $0xffff, v1;
	(pc) =	sbr.rel @p1 .LBB2_6-.Ltmp1, $4  }
0x70: {  	[tilespmem:v18+s10+$0x0] =	vst.idx.add.s32.msk $0xffff, v1  }
0x71: {  	[tilespmem:v26+s10+$0x0] =	vst.idx.add.s32.msk $0xffff, v1  }
0x72: {  	[tilespmem:v19+s10+$0x0] =	vst.idx.add.s32.msk $0xffff, v1  }
0x73: {  	s20 =	sadd.s32 $0x100, s20;
	[tilespmem:v14+s10+$0x0] =	vst.idx.add.s32.msk $0xffff, v1  }
0x74: {  	_ =	sdelay $0x3  }
0x75: {  	[tilespmem:v13+s10+$0x0] =	vst.idx.add.s32.msk $0xffff, v1  }
0x76: {  	[tilespmem:v12+s10+$0x0] =	vst.idx.add.s32.msk $0xffff, v1  }
0x77: {  	[tilespmem:v11+s10+$0x0] =	vst.idx.add.s32.msk $0xffff, v1;
	p1 =	seq.s32 s18, $0x10  }
.Ltmp2:
0x78: {  	[tilespmem:v10+s10+$0x0] =	vst.idx.add.s32.msk $0xffff, v1;
	(pc) =	sbr.rel @!p1 .LBB2_5-.Ltmp2, $4  }
0x79: {  	[tilespmem:v9+s10+$0x0] =	vst.idx.add.s32.msk $0xffff, v1  }
0x7a: {  	[tilespmem:v8+s10+$0x0] =	vst.idx.add.s32.msk $0xffff, v1  }
0x7b: {  	[tilespmem:v7+s10+$0x0] =	vst.idx.add.s32.msk $0xffff, v1  }
0x7c: {  	[tilespmem:v6+s10+$0x0] =	vst.idx.add.s32.msk $0xffff, v1;
	p0 =	por !p0, !p0  }
0x7d: {  	s18 =	simm.s32 $0x8100  }
0x7e: {  	v6 =	vld [tilespmem:s18+$0x0]  }
0x7f: {  	v7 =	vld [tilespmem:s18+$0x10]  }
0x80: {  	v8 =	vld [tilespmem:s18+$0x20]  }
0x81: {  	v9 =	vld [tilespmem:s18+$0x30]  }
0x82: {  	v10 =	vld [tilespmem:s18+$0x40]  }
0x83: {  	v11 =	vld [tilespmem:s18+$0x50]  }
0x84: {  	v12 =	vld [tilespmem:s18+$0x60]  }
0x85: {  	v13 =	vld [tilespmem:s18+$0x70]  }
0x86: {  	v14 =	vld [tilespmem:s18+$0x80]  }
0x87: {  	v15 =	vld [tilespmem:s18+$0x90]  }
0x88: {  	v16 =	vld [tilespmem:s18+$0xA0]  }
0x89: {  	v17 =	vld [tilespmem:s18+$0xB0]  }
0x8a: {  	v18 =	vld [tilespmem:s18+$0xC0]  }
0x8b: {  	v19 =	vld [tilespmem:s18+$0xD0]  }
0x8c: {  	v20 =	vld [tilespmem:s18+$0xE0]  }
0x8d: {  	v21 =	vld [tilespmem:s18+$0xF0]  }
0x8e: {  	v6 =	vadd.s32 v6, v7;
	v7 =	vld [tilespmem:s18+$0xFFFFFF10]  }
0x8f: {  	v6 =	vadd.s32 v8, v6;
	v8 =	vld [tilespmem:s18+$0xFFFFFF00]  }
0x90: {  	v6 =	vadd.s32 v9, v6;
	v9 =	vld [tilespmem:s18+$0xFFFFFF20]  }
0x91: {  	v6 =	vadd.s32 v10, v6;
	v10 =	vld [tilespmem:s18+$0xFFFFFF30]  }
0x92: {  	v6 =	vadd.s32 v11, v6;
	v11 =	vld [tilespmem:s18+$0xFFFFFF40]  }
0x93: {  	v61 =	vld [tilespmem:s18+$0xFFFFFF50];
	v6 =	vadd.s32 v12, v6  }
0x94: {  	v6 =	vadd.s32 v13, v6;
	v7 =	vadd.s32 v8, v7;
	v8 =	vld [tilespmem:s18+$0xFFFFFF60]  }
0x95: {  	v6 =	vadd.s32 v14, v6;
	v7 =	vadd.s32 v9, v7;
	v9 =	vld [tilespmem:s18+$0xFFFFFF70]  }
0x96: {  	v6 =	vadd.s32 v15, v6;
	v7 =	vadd.s32 v10, v7;
	v10 =	vld [tilespmem:s18+$0xFFFFFF80]  }
0x97: {  	v6 =	vadd.s32 v16, v6;
	v7 =	vadd.s32 v11, v7;
	v11 =	vld [tilespmem:s18+$0xFFFFFF90]  }
0x98: {  	v62 =	vld [tilespmem:s18+$0xFFFFFFA0];
	v6 =	vadd.s32 v17, v6;
	v7 =	vadd.s32 v61, v7  }
0x99: {  	v63 =	vadd.s32 v18, v6;
	v7 =	vadd.s32 v8, v7;
	v6 =	vld [tilespmem:s18+$0xFFFFFFB0]  }
0x9a: {  	v8 =	vadd.s32 v19, v63;
	v9 =	vadd.s32 v9, v7;
	v7 =	vld [tilespmem:s18+$0xFFFFFFC0]  }
0x9b: {  	v13 =	vadd.s32 v20, v8;
	v9 =	vadd.s32 v10, v9;
	v8 =	vld [tilespmem:s18+$0xFFFFFFD0]  }
0x9c: {  	s20 =	simm.s32 $0x18010;
	s22 =	simm.s32 $0x0;
	v10 =	vadd.s32 v21, v13;
	v11 =	vadd.s32 v11, v9;
	v9 =	vld [tilespmem:s18+$0xFFFFFFE0]  }
0x9d: {  	s19 =	simm.s32 $0xF;
	s21 =	simm.s32 $0x18FF0;
	s23 =	simm.s32 $0x8300;
	[tilespmem:s20+$0x0] =	vst v10;
	v11 =	vadd.s32 v62, v11;
	v10 =	vld [tilespmem:s18+$0xFFFFFFF0]  }
.LBB2_9:
0x9e: {  	v12 =	vld [tilespmem:s23+$0x0];
	v6 =	vadd.s32 v6, v11  }
0x9f: {  	s22 =	sadd.s32 $0x2, s22;
	v11 =	vld [tilespmem:s23+$0x10];
	v6 =	vadd.s32 v7, v6  }
0xa0: {  	p0 =	slt.u32 s22, $0xFE;
	v7 =	vld [tilespmem:s23+$0x20];
	v6 =	vadd.s32 v8, v6  }
0xa1: {  	v8 =	vld [tilespmem:s23+$0x30];
	v6 =	vadd.s32 v9, v6  }
0xa2: {  	v9 =	vld [tilespmem:s23+$0x40];
	v6 =	vadd.s32 v10, v6  }
0xa3: {  	v10 =	vld [tilespmem:s23+$0x50];
	[tilespmem:s20+$0xFFFFFFF0] =	vst v6  }
0xa4: {  	v6 =	vadd.s32 v12, v11;
	v11 =	vld [tilespmem:s23+$0x60]  }
0xa5: {  	v6 =	vadd.s32 v7, v6;
	v7 =	vld [tilespmem:s23+$0x70]  }
0xa6: {  	v6 =	vadd.s32 v8, v6;
	v8 =	vld [tilespmem:s23+$0x80]  }
0xa7: {  	v6 =	vadd.s32 v9, v6;
	v9 =	vld [tilespmem:s23+$0x90]  }
0xa8: {  	v6 =	vadd.s32 v10, v6;
	v10 =	vld [tilespmem:s23+$0xA0]  }
0xa9: {  	v6 =	vadd.s32 v11, v6;
	v11 =	vld [tilespmem:s23+$0xB0]  }
0xaa: {  	v6 =	vadd.s32 v7, v6;
	v7 =	vld [tilespmem:s23+$0xC0]  }
0xab: {  	v6 =	vadd.s32 v8, v6;
	v8 =	vld [tilespmem:s23+$0xD0]  }
0xac: {  	v6 =	vadd.s32 v9, v6;
	v9 =	vld [tilespmem:s23+$0xE0]  }
0xad: {  	v6 =	vadd.s32 v10, v6;
	v10 =	vld [tilespmem:s23+$0xF0]  }
0xae: {  	v12 =	vld [tilespmem:s23+$0xFFFFFF10];
	v6 =	vadd.s32 v11, v6  }
0xaf: {  	v11 =	vld [tilespmem:s23+$0xFFFFFF00];
	v6 =	vadd.s32 v7, v6  }
0xb0: {  	v7 =	vld [tilespmem:s23+$0xFFFFFF20];
	v6 =	vadd.s32 v8, v6  }
0xb1: {  	v8 =	vld [tilespmem:s23+$0xFFFFFF30];
	v6 =	vadd.s32 v9, v6  }
0xb2: {  	s20 =	sadd.s32 $0x20, s20;
	v9 =	vld [tilespmem:s23+$0xFFFFFF40];
	v6 =	vadd.s32 v10, v6  }
0xb3: {  	s18 =	simm.s32 $0x0;
	v10 =	vld [tilespmem:s23+$0xFFFFFF50];
	[tilespmem:s20+$0x0] =	vst v6  }
0xb4: {  	v6 =	vadd.s32 v11, v12;
	v11 =	vld [tilespmem:s23+$0xFFFFFF60]  }
0xb5: {  	v6 =	vadd.s32 v7, v6;
	v7 =	vld [tilespmem:s23+$0xFFFFFF70]  }
0xb6: {  	v6 =	vadd.s32 v8, v6;
	v8 =	vld [tilespmem:s23+$0xFFFFFF80]  }
0xb7: {  	v6 =	vadd.s32 v9, v6;
	v9 =	vld [tilespmem:s23+$0xFFFFFF90]  }
0xb8: {  	v6 =	vadd.s32 v10, v6;
	v10 =	vld [tilespmem:s23+$0xFFFFFFA0]  }
.Ltmp3:
0xb9: {  	v11 =	vadd.s32 v11, v6;
	v6 =	vld [tilespmem:s23+$0xFFFFFFB0];
	(pc) =	sbr.rel @p0 .LBB2_9-.Ltmp3, $4  }
0xba: {  	v11 =	vadd.s32 v7, v11;
	v7 =	vld [tilespmem:s23+$0xFFFFFFC0]  }
0xbb: {  	v11 =	vadd.s32 v8, v11;
	v8 =	vld [tilespmem:s23+$0xFFFFFFD0]  }
0xbc: {  	v11 =	vadd.s32 v9, v11;
	v9 =	vld [tilespmem:s23+$0xFFFFFFE0]  }
0xbd: {  	v11 =	vadd.s32 v10, v11;
	v10 =	vld [tilespmem:s23+$0xFFFFFFF0];
	s23 =	sadd.s32 $0x200, s23  }
0xbe: {  	v6 =	vadd.s32 v6, v11  }
0xbf: {  	v6 =	vadd.s32 v7, v6  }
0xc0: {  	v6 =	vadd.s32 v8, v6  }
0xc1: {  	v6 =	vadd.s32 v9, v6  }
0xc2: {  	v6 =	vadd.s32 v10, v6  }
0xc3: {  	[tilespmem:s20+$0xFFFFFFF0] =	vst v6  }
0xc4: {  	v6 =	vld [tilespmem:s21+$0xFFFFFF10]  }
0xc5: {  	v7 =	vld [tilespmem:s21+$0xFFFFFF20]  }
0xc6: {  	v8 =	vld [tilespmem:s21+$0xFFFFFF30]  }
0xc7: {  	v9 =	vld [tilespmem:s21+$0xFFFFFF40]  }
0xc8: {  	v10 =	vld [tilespmem:s21+$0xFFFFFF50]  }
0xc9: {  	v11 =	vld [tilespmem:s21+$0xFFFFFF60]  }
0xca: {  	v12 =	vld [tilespmem:s21+$0xFFFFFF70]  }
0xcb: {  	v13 =	vld [tilespmem:s21+$0xFFFFFF80]  }
0xcc: {  	v14 =	vld [tilespmem:s21+$0xFFFFFF90];
	v6 =	vadd.s32 v6, v7  }
0xcd: {  	v15 =	vld [tilespmem:s21+$0xFFFFFFA0];
	v6 =	vadd.s32 v6, v8  }
0xce: {  	s31 =	simm.s32 $0x18EF0;
	v16 =	vld [tilespmem:s21+$0xFFFFFFB0];
	v6 =	vadd.s32 v6, v9  }
0xcf: {  	v56 =	vld [tilespmem:s31+$0xFFFFFF10];
	v6 =	vadd.s32 v6, v10  }
0xd0: {  	v57 =	vld [tilespmem:s31+$0xFFFFFF20];
	v6 =	vadd.s32 v6, v11  }
0xd1: {  	v7 =	vld [tilespmem:s21+$0xFFFFFFC0];
	v6 =	vadd.s32 v6, v12  }
0xd2: {  	v8 =	vld [tilespmem:s21+$0xFFFFFFD0];
	v6 =	vadd.s32 v6, v13  }
0xd3: {  	v9 =	vld [tilespmem:s21+$0xFFFFFFE0];
	v6 =	vadd.s32 v6, v14  }
0xd4: {  	v10 =	vld [tilespmem:s21+$0xFFFFFFF0];
	v6 =	vadd.s32 v6, v15  }
0xd5: {  	v11 =	vld [tilespmem:s21+$0x0];
	v6 =	vadd.s32 v6, v16  }
0xd6: {  	v58 =	vld [tilespmem:s31+$0xFFFFFF30];
	v6 =	vadd.s32 v6, v7  }
0xd7: {  	v59 =	vld [tilespmem:s31+$0xFFFFFF40];
	v6 =	vadd.s32 v6, v8  }
0xd8: {  	v60 =	vld [tilespmem:s31+$0xFFFFFF50];
	v6 =	vadd.s32 v6, v9  }
0xd9: {  	v7 =	vld [tilespmem:s31+$0xFFFFFF60];
	v6 =	vadd.s32 v6, v10  }
0xda: {  	v61 =	vld [tilespmem:s31+$0xFFFFFF70];
	v8 =	vadd.s32 v56, v57;
	v6 =	vadd.s32 v6, v11  }
0xdb: {  	v8 =	vadd.s32 v8, v58;
	v9 =	vld [tilespmem:s31+$0xFFFFFF80];
	(xrf0) =	vadd.scan.msk.s32 $0xffff, v6  }
0xdc: {  	v8 =	vadd.s32 v8, v59;
	v10 =	vld [tilespmem:s31+$0xFFFFFF90]  }
0xdd: {  	v8 =	vadd.s32 v8, v60  }
0xde: {  	v6 =	vadd.s32 v8, v7  }
0xdf: {  	v11 =	vld [tilespmem:s31+$0xFFFFFFA0];
	v6 =	vadd.s32 v6, v61  }
0xe0: {  	v8 =	vld [tilespmem:s31+$0xFFFFFFB0];
	v6 =	vadd.s32 v6, v9  }
0xe1: {  	v62 =	vld [tilespmem:s31+$0xFFFFFFC0];
	v7 =	vadd.s32 v6, v10;
	v10, _, _ =	vpop (xrf0)  }
0xe2: {  	v63 =	vld [tilespmem:s31+$0xFFFFFFD0];
	(v2sf) =	vpush v10, $0xF  }
0xe3: {  	v6 =	vld [tilespmem:s31+$0xFFFFFFE0]  }
0xe4: {  	v9 =	vadd.s32 v7, v11;
	v7 =	vld [tilespmem:s31+$0xFFFFFFF0]  }
0xe5: {  	s25 =	simm.s32 $0x18DF0;
	v9 =	vadd.s32 v9, v8;
	v8 =	vld [tilespmem:s31+$0x0]  }
0xe6: {  	s23 =	simm.s32 $0xE;
	s22 =	simm.s32 $0xD;
	s26 =	simm.s32 $0xC;
	v11 =	vld [tilespmem:s25+$0xFFFFFF20];
	v12 =	vadd.s32 v9, v62  }
0xe7: {  	s24 =	simm.s32 $0x0;
	s20 =	simm.s32 $0x0;
	s21 =	simm.s32 $0x0;
	v9 =	vld [tilespmem:s25+$0xFFFFFF10];
	v10 =	vadd.s32 v12, v63  }
.LBB2_11:
0xe8: {  	p0 =	sne.s32 s26, $0x0;
	v12 =	vld [tilespmem:s25+$0xFFFFFF30];
	v6 =	vadd.s32 v10, v6;
	s28 =	smov.u32 s22;
	s22 =	smov.u32 s26  }
0xe9: {  	v10 =	vld [tilespmem:s25+$0xFFFFFF40];
	v6 =	vadd.s32 v6, v7  }
0xea: {  	v7 =	vld [tilespmem:s25+$0xFFFFFF50];
	v6 =	vadd.s32 v6, v8  }
0xeb: {  	v8 =	vld [tilespmem:s25+$0xFFFFFF60];
	(xrf0) =	vadd.scan.msk.s32 $0xffff, v6  }
0xec: {  	v6 =	vadd.s32 v9, v11;
	v9 =	vld [tilespmem:s25+$0xFFFFFF70]  }
0xed: {  	v6 =	vadd.s32 v6, v12;
	v11 =	vld [tilespmem:s25+$0xFFFFFF80]  }
0xee: {  	v6 =	vadd.s32 v6, v10;
	v10 =	vld [tilespmem:s25+$0xFFFFFF90]  }
0xef: {  	v6 =	vadd.s32 v6, v7;
	v7 =	vld [tilespmem:s25+$0xFFFFFFA0]  }
0xf0: {  	v6 =	vadd.s32 v6, v8;
	v8 =	vld [tilespmem:s25+$0xFFFFFFB0]  }
0xf1: {  	v6 =	vadd.s32 v6, v9;
	v12 =	vld [tilespmem:s25+$0xFFFFFFC0];
	v9, _, _ =	vpop (xrf0);
	s29 =	spop (v2sf)  }
0xf2: {  	v6 =	vadd.s32 v6, v11;
	v13 =	vld [tilespmem:s25+$0xFFFFFFD0];
	(v2sf) =	vpush v9, $0xF;
	s24 =	sadd.s32 s24, s29  }
.Ltmp4:
0xf3: {  	p1 =	slt.s32 s21, $0x6666;
	v9 =	vadd.s32 v6, v10;
	v6 =	vld [tilespmem:s25+$0xFFFFFFE0];
	p2 =	sgt.s32 s24, $0x6665;
	(pc) =	sbr.rel @p0 .LBB2_11-.Ltmp4, $4  }
0xf4: {  	v9 =	vadd.s32 v9, v7;
	v7 =	vld [tilespmem:s25+$0xFFFFFFF0];
	p1 =	por !p1, !p2  }
0xf5: {  	v10 =	vadd.s32 v9, v8;
	v8 =	vld [tilespmem:s25+$0x0];
	s25 =	sadd.s32 $0xFFFFFF00, s25;
	p1 =	por !p1, !p1  }
0xf6: {  	v9 =	vld [tilespmem:s25+$0xFFFFFF10];
	v10 =	vadd.s32 v10, v12;
	s18 =	smov.u32 @p1 s19;
	s20 =	smov.u32 @p1 s21;
	s21 =	smov.u32 s24  }
0xf7: {  	s26 =	sadd.s32 $0xFFFFFFFF, s26;
	s19 =	smov.u32 s23;
	s23 =	smov.u32 s28;
	v11 =	vld [tilespmem:s25+$0xFFFFFF20];
	v10 =	vadd.s32 v10, v13  }
0xf8: {  	v12 =	vld [tilespmem:s25+$0xFFFFFF30]  }
0xf9: {  	v13 =	vld [tilespmem:s25+$0xFFFFFF40]  }
0xfa: {  	v14 =	vld [tilespmem:s25+$0xFFFFFF50]  }
0xfb: {  	v15 =	vld [tilespmem:s25+$0xFFFFFF60]  }
0xfc: {  	v54 =	vld [tilespmem:s25+$0xFFFFFF70];
	v9 =	vadd.s32 v9, v11  }
0xfd: {  	v55 =	vld [tilespmem:s25+$0xFFFFFF80];
	v9 =	vadd.s32 v9, v12  }
0xfe: {  	v56 =	vld [tilespmem:s25+$0xFFFFFF90];
	v9 =	vadd.s32 v9, v13  }
0xff: {  	v57 =	vld [tilespmem:s25+$0xFFFFFFA0];
	v9 =	vadd.s32 v9, v14  }
0x100: {  	v58 =	vld [tilespmem:s25+$0xFFFFFFB0];
	v9 =	vadd.s32 v9, v15  }
0x101: {  	v59 =	vld [tilespmem:s25+$0xFFFFFFC0];
	v9 =	vadd.s32 v9, v54  }
0x102: {  	v60 =	vld [tilespmem:s25+$0xFFFFFFD0];
	v9 =	vadd.s32 v9, v55  }
0x103: {  	v61 =	vld [tilespmem:s25+$0xFFFFFFE0];
	v9 =	vadd.s32 v9, v56  }
0x104: {  	v62 =	vld [tilespmem:s25+$0xFFFFFFF0];
	v9 =	vadd.s32 v9, v57  }
0x105: {  	v63 =	vld [tilespmem:s25+$0x0];
	v9 =	vadd.s32 v9, v58  }
0x106: {  	v9 =	vadd.s32 v9, v59  }
0x107: {  	v6 =	vadd.s32 v10, v6;
	v9 =	vadd.s32 v9, v60  }
0x108: {  	v6 =	vadd.s32 v6, v7;
	v7 =	vadd.s32 v9, v61  }
0x109: {  	v6 =	vadd.s32 v6, v8;
	v7 =	vadd.s32 v7, v62  }
0x10a: {  	(xrf0) =	vadd.scan.msk.s32 $0xffff, v6;
	v6 =	vadd.s32 v7, v63  }
0x10b: {  	(xrf0) =	vadd.scan.msk.s32 $0xffff, v6;
	_ =	sdelay $0x4  }
0x10c: {  	v6, _, _ =	vpop (xrf0)  }
0x10d: {  	(v2sf) =	vpush v6, $0xF;
	v6, _, _ =	vpop (xrf0)  }
0x10e: {  	(v2sf) =	vpush v6, $0xF;
	_ =	sdelay $0xb  }
0x10f: {  	s31 =	spop (v2sf)  }
0x110: {  	p0 =	slt.s32 s21, $0x6666;
	s25 =	sadd.s32 s24, s31  }
0x111: {  	p1 =	sgt.s32 s25, $0x6665;
	p3 =	slt.s32 s25, $0x6666;
	s0 =	spop (v2sf)  }
0x112: {  	p0 =	por !p0, !p1;
	s26 =	sadd.s32 s25, s0;
	s2 =	spop (v2sf)  }
0x113: {  	p0 =	por !p0, !p0;
	p2 =	sgt.s32 s26, $0x6665;
	s24 =	sadd.s32 s26, s2  }
0x114: {  	p4 =	slt.s32 s26, $0x6666;
	p1 =	por !p3, !p2;
	p3 =	sgt.s32 s24, $0x6665  }
0x115: {  	s18 =	smov.u32 @p0 s19;
	p2 =	por !p1, !p1;
	p3 =	por !p4, !p3  }
0x116: {  	s18 =	smov.u32 @p2 s23;
	p1 =	por !p3, !p3  }
0x117: {  	s18 =	smov.u32 @p1 s22  }
0x118: {  	s24 =	sshll.u32 s18, $0x8  }
0x119: {  	s28 =	simm.s32 $0xF0;
	s19 =	sand.u32 $0x3FFFFF00, s24  }
0x11a: {  	s29 =	sand.u32 $0x80, s28;
	s24 =	sadd.s32 $0x18000, s19  }
0x11b: {  	s22 =	sand.u32 $0x70, s28;
	s19 =	sadd.s32 s29, s24  }
0x11c: {  	s19 =	sadd.s32 s22, s19  }
0x11d: {  	v6 =	vld [tilespmem:s19+$0x0];
	_ =	sdelay $0x4  }
0x11e: {  	(xrf0) =	vadd.scan.msk.s32 $0xffff, v6;
	_ =	sdelay $0x2  }
0x11f: {  	s30 =	simm.s32 $0xE0  }
0x120: {  	s31 =	sand.u32 $0x80, s30  }
0x121: {  	s22 =	sadd.s32 s31, s24;
	s19 =	sand.u32 $0x70, s30  }
0x122: {  	s0 =	simm.s32 $0xD0;
	s19 =	sadd.s32 s19, s22;
	v6, _, _ =	vpop (xrf0)  }
0x123: {  	s2 =	sand.u32 $0x80, s0;
	s28 =	simm.s32 $0xC0;
	(v2sf) =	vpush v6, $0xF;
	v6 =	vld [tilespmem:s19+$0x0]  }
0x124: {  	s23 =	sand.u32 $0x70, s0;
	s29 =	sand.u32 $0x80, s28;
	s22 =	sadd.s32 s2, s24  }
0x125: {  	s28 =	sand.u32 $0x70, s28;
	s30 =	sadd.s32 s29, s24;
	s23 =	sadd.s32 s23, s22  }
0x126: {  	s31 =	sadd.s32 s28, s30;
	v7 =	vld [tilespmem:s23+$0x0]  }
0x127: {  	v8 =	vld [tilespmem:s31+$0x0]  }
0x128: {  	(xrf0) =	vadd.scan.msk.s32 $0xffff, v6;
	_ =	sdelay $0x2  }
0x129: {  	(xrf0) =	vadd.scan.msk.s32 $0xffff, v7  }
0x12a: {  	(xrf0) =	vadd.scan.msk.s32 $0xffff, v8;
	_ =	sdelay $0x1  }
0x12b: {  	v7, _, _ =	vpop (xrf0)  }
0x12c: {  	(v2sf) =	vpush v7, $0xF  }
0x12d: {  	s20 =	smov.u32 @p0 s21  }
0x12e: {  	s0 =	simm.s32 $0xB0;
	s20 =	smov.u32 @p2 s25;
	v7, _, _ =	vpop (xrf0)  }
0x12f: {  	s20 =	smov.u32 @p1 s26;
	s2 =	sand.u32 $0x80, s0;
	(v2sf) =	vpush v7, $0xF;
	v7, _, _ =	vpop (xrf0)  }
0x130: {  	s21 =	sadd.s32 s2, s24;
	s19 =	sand.u32 $0x70, s0;
	s26 =	spop (v2sf);
	(v2sf) =	vpush v7, $0xF  }
0x131: {  	s21 =	sadd.s32 s19, s21  }
0x132: {  	v6 =	vld [tilespmem:s21+$0x0]  }
0x133: {  	s22 =	simm.s32 $0xA0  }
0x134: {  	s25 =	simm.s32 $0xF;
	s23 =	simm.s32 $0x0;
	s29 =	sand.u32 $0x80, s22  }
0x135: {  	s30 =	sand.u32 $0x70, s22;
	s19 =	ssub.s32 $0x6666, s20;
	s20 =	sadd.s32 $0x0, s26  }
0x136: {  	s31 =	sadd.s32 s29, s24;
	p5 =	sgt.s32 s19, $0x0;
	p6 =	sge.s32 s20, s19  }
0x137: {  	s22 =	simm.s32 $0x0;
	s21 =	sadd.s32 s30, s31;
	(xrf0) =	vadd.scan.msk.s32 $0xffff, v6;
	p0 =	por !p5, !p6  }
0x138: {  	v6 =	vld [tilespmem:s21+$0x0];
	s21 =	simm.s32 $0x0;
	s26 =	simm.s32 $0x90;
	p0 =	por !p0, !p0  }
.LBB2_13:
0x139: {  	s28 =	sand.u32 $0x80, s26;
	s23 =	smov.u32 @p0 s25;
	s21 =	smov.u32 @p0 s22  }
0x13a: {  	s29 =	smov.u32 s26;
	s22 =	smov.u32 s20;
	p1 =	sne.s32 s26, $0x0  }
.Ltmp5:
0x13b: {  	s26 =	sadd.s32 $0xFFFFFFF0, s26;
	s30 =	spop (v2sf);
	(pc) =	sbr.rel @p1 .LBB2_13-.Ltmp5, $4  }
0x13c: {  	s29 =	sand.u32 $0x70, s29;
	s28 =	sadd.s32 s28, s24;
	s20 =	sadd.s32 s20, s30  }
0x13d: {  	p0 =	slt.s32 s22, s19;
	s28 =	sadd.s32 s29, s28;
	(xrf0) =	vadd.scan.msk.s32 $0xffff, v6;
	v7, _, _ =	vpop (xrf0);
	p2 =	sge.s32 s20, s19  }
0x13e: {  	v6 =	vld [tilespmem:s28+$0x0];
	(v2sf) =	vpush v7, $0xF;
	p0 =	por !p0, !p2  }
0x13f: {  	s25 =	sadd.s32 $0xFFFFFFFF, s25;
	p0 =	por !p0, !p0  }
0x140: {  	_ =	sdelay $0x2  }
0x141: {  	(xrf0) =	vadd.scan.msk.s32 $0xffff, v6;
	_ =	sdelay $0x4  }
0x142: {  	v6, _, _ =	vpop (xrf0)  }
0x143: {  	(v2sf) =	vpush v6, $0xF;
	v6, _, _ =	vpop (xrf0)  }
0x144: {  	(v2sf) =	vpush v6, $0xF;
	_ =	sdelay $0x2  }
0x145: {  	s24 =	spop (v2sf)  }
0x146: {  	s24 =	sadd.s32 s20, s24  }
0x147: {  	p1 =	slt.s32 s20, s19;
	p2 =	sge.s32 s24, s19  }
0x148: {  	s26 =	spop (v2sf);
	p1 =	por !p1, !p2  }
0x149: {  	s26 =	sadd.s32 s24, s26;
	s0 =	simm.s32 @!p1 $0x0  }
0x14a: {  	p3 =	sge.s32 s26, s19;
	s0 =	simm.s32 @p1 $0x1;
	p1 =	slt.s32 s24, s19  }
0x14b: {  	p1 =	por !p1, !p3  }
0x14c: {  	[smem:$0x7FC] =	sst s0;
	s0 =	simm.s32 @!p1 $0x0  }
0x14d: {  	s23 =	smov.u32 @p0 s25;
	s31 =	sld [smem:$0x7FC];
	s0 =	simm.s32 @p1 $0x1  }
0x14e: {  	s25 =	sadd.s32 $0xFFFFFFFF, s25;
	[smem:$0x7FD] =	sst s0;
	s28 =	spop (v2sf)  }
0x14f: {  	p3 =	slt.s32 s26, s19;
	s2 =	sld [smem:$0x7FD];
	s29 =	sadd.s32 s26, s28  }
0x150: {  	p4 =	sge.s32 s29, s19;
	p5 =	slt.s32 s29, s19;
	s30 =	spop (v2sf)  }
0x151: {  	p3 =	por !p3, !p4;
	s28 =	sadd.s32 s29, s30;
	s30 =	spop (v2sf)  }
0x152: {  	p4 =	seq.s32 s31, $0x1;
	p6 =	sge.s32 s28, s19;
	s30 =	sadd.s32 s28, s30  }
0x153: {  	p2 =	slt.s32 s28, s19;
	p6 =	por !p5, !p6;
	p1 =	sge.s32 s30, s19  }
0x154: {  	p5 =	seq.s32 s2, $0x1;
	p2 =	por !p2, !p1;
	p1 =	por !p4, !p4  }
0x155: {  	p5 =	por !p5, !p5;
	s23 =	smov.u32 @p1 s25;
	s25 =	sadd.s32 $0xFFFFFFFF, s25  }
0x156: {  	p4 =	por !p3, !p3;
	s23 =	smov.u32 @p5 s25;
	s25 =	sadd.s32 $0xFFFFFFFF, s25  }
0x157: {  	p3 =	por !p6, !p6;
	s23 =	smov.u32 @p4 s25;
	s25 =	sadd.s32 $0xFFFFFFFF, s25  }
0x158: {  	p2 =	por !p2, !p2;
	s23 =	smov.u32 @p3 s25;
	s25 =	sadd.s32 $0xFFFFFFFF, s25  }
0x159: {  	s18 =	sshll.u32 s18, $0x4;
	s23 =	smov.u32 @p2 s25  }
0x15a: {  	s18 =	sor.u32 s18, s23  }
0x15b: {  	s18 =	sshll.u32 s18, $0x8  }
0x15c: {  	s31 =	simm.s32 $0xF0;
	s30 =	sand.u32 $0x3FFFFF00, s18  }
0x15d: {  	s0 =	sand.u32 $0x80, s31;
	s23 =	sadd.s32 $0x8000, s30  }
0x15e: {  	s25 =	sand.u32 $0x70, s31;
	s30 =	sadd.s32 s0, s23  }
0x15f: {  	s25 =	sadd.s32 s25, s30  }
0x160: {  	v6 =	vld [tilespmem:s25+$0x0];
	_ =	sdelay $0x4  }
0x161: {  	(xrf0) =	vadd.scan.msk.s32 $0xffff, v6;
	_ =	sdelay $0x2  }
0x162: {  	s2 =	simm.s32 $0xE0  }
0x163: {  	s0 =	sand.u32 $0x80, s2  }
0x164: {  	s30 =	sadd.s32 s0, s23;
	s25 =	sand.u32 $0x70, s2  }
0x165: {  	s31 =	simm.s32 $0xD0;
	s25 =	sadd.s32 s25, s30;
	v6, _, _ =	vpop (xrf0)  }
0x166: {  	s0 =	simm.s32 $0xC0;
	s2 =	sand.u32 $0x80, s31;
	(v2sf) =	vpush v6, $0xF;
	v6 =	vld [tilespmem:s25+$0x0]  }
0x167: {  	s31 =	sand.u32 $0x70, s31;
	s30 =	sadd.s32 s2, s23;
	s2 =	sand.u32 $0x80, s0  }
0x168: {  	s0 =	sand.u32 $0x70, s0;
	s31 =	sadd.s32 s31, s30;
	s2 =	sadd.s32 s2, s23  }
0x169: {  	v7 =	vld [tilespmem:s31+$0x0];
	s0 =	sadd.s32 s0, s2  }
0x16a: {  	v8 =	vld [tilespmem:s0+$0x0]  }
0x16b: {  	(xrf0) =	vadd.scan.msk.s32 $0xffff, v6;
	_ =	sdelay $0x2  }
0x16c: {  	(xrf0) =	vadd.scan.msk.s32 $0xffff, v7  }
0x16d: {  	(xrf0) =	vadd.scan.msk.s32 $0xffff, v8;
	_ =	sdelay $0x1  }
0x16e: {  	s21 =	smov.u32 @p0 s22;
	v7, _, _ =	vpop (xrf0)  }
0x16f: {  	s21 =	smov.u32 @p1 s20;
	(v2sf) =	vpush v7, $0xF  }
0x170: {  	s21 =	smov.u32 @p5 s24  }
0x171: {  	s21 =	smov.u32 @p4 s26;
	s25 =	simm.s32 $0xB0;
	v7, _, _ =	vpop (xrf0)  }
0x172: {  	s21 =	smov.u32 @p3 s29;
	s26 =	sand.u32 $0x80, s25;
	(v2sf) =	vpush v7, $0xF;
	v7, _, _ =	vpop (xrf0)  }
0x173: {  	s0 =	sand.u32 $0x70, s25;
	s2 =	sadd.s32 s26, s23;
	s29 =	spop (v2sf);
	(v2sf) =	vpush v7, $0xF  }
0x174: {  	s0 =	sadd.s32 s0, s2  }
0x175: {  	v6 =	vld [tilespmem:s0+$0x0]  }
0x176: {  	s20 =	simm.s32 $0x0;
	s21 =	smov.u32 @p2 s28  }
0x177: {  	s24 =	simm.s32 $0xF;
	s28 =	simm.s32 $0xA0;
	s19 =	ssub.s32 s19, s21  }
0x178: {  	p5 =	sgt.s32 s19, $0x0;
	s30 =	sand.u32 $0x80, s28;
	s22 =	sadd.s32 $0x0, s29  }
0x179: {  	s31 =	sadd.s32 s30, s23;
	s0 =	sand.u32 $0x70, s28;
	p6 =	sge.s32 s22, s19  }
0x17a: {  	s21 =	simm.s32 $0x0;
	s0 =	sadd.s32 s0, s31;
	(xrf0) =	vadd.scan.msk.s32 $0xffff, v6;
	p0 =	por !p5, !p6  }
0x17b: {  	s25 =	simm.s32 $0x0;
	s26 =	simm.s32 $0x90;
	v6 =	vld [tilespmem:s0+$0x0];
	p0 =	por !p0, !p0  }
.LBB2_15:
0x17c: {  	s0 =	sand.u32 $0x80, s26;
	s21 =	smov.u32 @p0 s24;
	s20 =	smov.u32 @p0 s25  }
0x17d: {  	s2 =	smov.u32 s26;
	s25 =	smov.u32 s22;
	p1 =	sne.s32 s26, $0x0  }
.Ltmp6:
0x17e: {  	s26 =	sadd.s32 $0xFFFFFFF0, s26;
	s28 =	spop (v2sf);
	(pc) =	sbr.rel @p1 .LBB2_15-.Ltmp6, $4  }
0x17f: {  	s2 =	sand.u32 $0x70, s2;
	s0 =	sadd.s32 s0, s23;
	s22 =	sadd.s32 s22, s28  }
0x180: {  	p0 =	slt.s32 s25, s19;
	s0 =	sadd.s32 s2, s0;
	(xrf0) =	vadd.scan.msk.s32 $0xffff, v6;
	v7, _, _ =	vpop (xrf0);
	p2 =	sge.s32 s22, s19  }
0x181: {  	v6 =	vld [tilespmem:s0+$0x0];
	(v2sf) =	vpush v7, $0xF;
	p0 =	por !p0, !p2  }
0x182: {  	s24 =	sadd.s32 $0xFFFFFFFF, s24;
	p0 =	por !p0, !p0  }
0x183: {  	_ =	sdelay $0x2  }
0x184: {  	(xrf0) =	vadd.scan.msk.s32 $0xffff, v6;
	_ =	sdelay $0x4  }
0x185: {  	v6, _, _ =	vpop (xrf0)  }
0x186: {  	(v2sf) =	vpush v6, $0xF;
	v6, _, _ =	vpop (xrf0)  }
0x187: {  	(v2sf) =	vpush v6, $0xF;
	_ =	sdelay $0xa  }
0x188: {  	s0 =	spop (v2sf)  }
0x189: {  	s2 =	spop (v2sf);
	s0 =	sadd.s32 s22, s0  }
0x18a: {  	s2 =	sadd.s32 s0, s2;
	s23 =	spop (v2sf)  }
0x18b: {  	s26 =	sadd.s32 s2, s23;
	s28 =	spop (v2sf)  }
0x18c: {  	s28 =	sadd.s32 s26, s28;
	s29 =	spop (v2sf)  }
0x18d: {  	s23 =	sadd.s32 s28, s29  }
0x18e: {  	p1 =	sge.s32 s23, s19  }
0x18f: {  	p2 =	slt.s32 s22, s19;
	p3 =	sge.s32 s0, s19;
	s23 =	simm.s32 @!p1 $0x0  }
0x190: {  	s23 =	simm.s32 @p1 $0x1;
	p1 =	por !p2, !p3  }
0x191: {  	[smem:$0x7FA] =	sst s23;
	s23 =	simm.s32 @!p1 $0x0  }
0x192: {  	p5 =	slt.s32 s0, s19;
	s23 =	simm.s32 @p1 $0x1;
	s30 =	sld [smem:$0x7FA]  }
0x193: {  	p4 =	sge.s32 s2, s19;
	p6 =	slt.s32 s26, s19;
	[smem:$0x7FB] =	sst s23  }
0x194: {  	p3 =	por !p5, !p4;
	p4 =	slt.s32 s2, s19;
	s31 =	sld [smem:$0x7FB]  }
0x195: {  	p5 =	sge.s32 s26, s19;
	p2 =	slt.s32 s28, s19;
	p1 =	sge.s32 s28, s19  }
0x196: {  	p4 =	por !p4, !p5;
	p5 =	por !p6, !p1;
	p6 =	seq.s32 s30, $0x1  }
0x197: {  	p6 =	por !p2, !p6;
	p2 =	seq.s32 s31, $0x1  }
0x198: {  	s21 =	smov.u32 @p0 s24;
	s23 =	sadd.s32 $0xFFFFFFFF, s24;
	p1 =	por !p2, !p2  }
0x199: {  	p2 =	por !p3, !p3;
	s21 =	smov.u32 @p1 s23;
	s23 =	sadd.s32 $0xFFFFFFFF, s23  }
0x19a: {  	p3 =	por !p4, !p4;
	s21 =	smov.u32 @p2 s23;
	s23 =	sadd.s32 $0xFFFFFFFF, s23  }
0x19b: {  	p4 =	por !p5, !p5;
	s21 =	smov.u32 @p3 s23;
	s23 =	sadd.s32 $0xFFFFFFFF, s23  }
0x19c: {  	p5 =	por !p6, !p6;
	s21 =	smov.u32 @p4 s23;
	s23 =	sadd.s32 $0xFFFFFFFF, s23  }
0x19d: {  	s21 =	smov.u32 @p5 s23  }
0x19e: {  	s21 =	sshll.u32 s21, $0x4  }
0x19f: {  	s23 =	simm.s32 $0x8040;
	s21 =	sor.u32 s18, s21  }
0x1a0: {  	v6 =	vld [tilespmem:s21+$0x8000];
	[tilespmem:s23+$0xFFFFFFC0] =	vst v3  }
0x1a1: {  	s20 =	smov.u32 @p0 s25;
	[tilespmem:s23+$0x30] =	vst v3  }
0x1a2: {  	s20 =	smov.u32 @p1 s22;
	[tilespmem:s23+$0x20] =	vst v3  }
0x1a3: {  	s20 =	smov.u32 @p2 s0;
	[tilespmem:s23+$0x10] =	vst v3  }
0x1a4: {  	s20 =	smov.u32 @p3 s2;
	[tilespmem:s23+$0x0] =	vst v3  }
0x1a5: {  	s20 =	smov.u32 @p4 s26;
	[tilespmem:s23+$0xFFFFFFF0] =	vst v3  }
0x1a6: {  	s20 =	smov.u32 @p5 s28;
	s18 =	simm.s32 $0x0;
	[tilespmem:s23+$0xFFFFFFE0] =	vst v3;
	v6 =	vperm.xlane v6, v2  }
.LBB2_17:
0x1a7: {  	s18 =	sadd.s32 $0x8, s18;
	[tilespmem:s23+$0xFFFFFFD0] =	vst v3;
	s23 =	sadd.s32 $0x80, s23  }
0x1a8: {  	[tilespmem:s23+$0xFFFFFFC0] =	vst v3;
	p0 =	slt.u32 s18, $0xFF8  }
0x1a9: {  	[tilespmem:s23+$0x30] =	vst v3  }
.Ltmp7:
0x1aa: {  	[tilespmem:s23+$0x20] =	vst v3;
	(pc) =	sbr.rel @p0 .LBB2_17-.Ltmp7, $4  }
0x1ab: {  	[tilespmem:s23+$0x10] =	vst v3  }
0x1ac: {  	[tilespmem:s23+$0x0] =	vst v3  }
0x1ad: {  	[tilespmem:s23+$0xFFFFFFF0] =	vst v3  }
0x1ae: {  	[tilespmem:s23+$0xFFFFFFE0] =	vst v3  }
0x1af: {  	(xrf0) =	vadd.scan.msk.s32 $0xffff, v6;
	_ =	sdelay $0x5  }
0x1b0: {  	s18 =	ssub.s32 s19, s20;
	v7, _, _ =	vpop (xrf0)  }
0x1b1: {  	vm0 =	vge.s32 v7, s18  }
0x1b2: {  	v7 =	vsel vm0, $0x1, v3  }
0x1b3: {  	(xrf0) =	vadd.scan.msk.s32 $0xffff, v7;
	_ =	sdelay $0x5  }
0x1b4: {  	v7, _, _ =	vpop (xrf0)  }
0x1b5: {  	(v2sf) =	vpush v7, $0xF;
	_ =	sdelay $0xc  }
0x1b6: {  	[tilespmem:s23+$0xFFFFFFD0] =	vst v3;
	s20 =	simm.s32 $0x0  }
0x1b7: {  	[tilespmem:s20], [sflag:$0x1] =	stream.strided.gather [hbm4b:s17+s8], $0x4000, s9, s8, $0x38;
	[tilespmem:$0x19080] =	vst v63  }
0x1b8: {  	s19 =	spop (v2sf)  }
0x1b9: {  	s0 =	sadd.s32 s19, s21  }
0x1ba: {  	s17 =	sadd.s32 $0xFFFFFFFF, s0  }
0x1bb: {  	p0 =	por $0x0, $0x0;
	v7 =	vmov s17  }
.LBB2_19:
0x1bc: {  	s0 =	sand.u32 $0x1, s20  }
0x1bd: {  	p1 =	seq.s32 s20, $0xF;
	p2 =	seq.s32 s0, $0x1  }
0x1be: {  	s20 =	sadd.s32 $0x1, s20;
	p1 =	por !p2, p1  }
0x1bf: {  	s2 =	sshll.u32 @!p1 s20, $0xE  }
0x1c0: {  	s21 =	sshll.u32 @!p1 s20, $0x6;
	s2 =	sand.u32 @!p1 $0x40000, s2  }
0x1c1: {  	s21 =	sand.u32 @!p1 $0x380, s21;
	s2 =	sadd.s32 @!p1 s16, s2  }
0x1c2: {  	s2 =	sor.u32 @!p1 s21, s2  }
0x1c3: {  	s30 =	sand.u32 $0x1, s20;
	s22 =	simm.s32 @!p1 $0x400;
	s2 =	sshrl.u32 @!p1 s2, $0x3  }
0x1c4: {  	s23 =	simm.s32 @!p1 $0x0;
	s21 =	simm.s32 @!p1 $0x80;
	s2 =	sadd.s32 @!p1 s1, s2  }
0x1c5: {  	[tilespmem:s23], [sflag:$0x1] =	stream.strided.gather @!p1 [hbm4b:s2+s21], $0x4000, s22, s21, $0x38;
	[tilespmem:$0x19080] =	vst v63  }
0x1c6: {  	p1 =	seq.s32 s30, $0x0  }
0x1c7: {  	s2 =	sshll.u32 @!p1 s20, $0xE  }
0x1c8: {  	s21 =	sshll.u32 @!p1 s20, $0x6;
	s2 =	sand.u32 @!p1 $0x40000, s2  }
0x1c9: {  	s21 =	sand.u32 @!p1 $0x380, s21;
	s2 =	sadd.s32 @!p1 s16, s2  }
0x1ca: {  	s2 =	sor.u32 @!p1 s21, s2  }
0x1cb: {  	s22 =	simm.s32 @!p1 $0x400;
	s2 =	sshrl.u32 @!p1 s2, $0x3  }
0x1cc: {  	s23 =	simm.s32 @!p1 $0x4000;
	s21 =	simm.s32 @!p1 $0x80;
	s2 =	sadd.s32 @!p1 s2, s5  }
0x1cd: {  	[tilespmem:s23], [sflag:$0x2] =	stream.strided.gather @!p1 [hbm4b:s2+s21], $0x4000, s22, s21, $0x38;
	[tilespmem:$0x19080] =	vst v63  }
0x1ce: {  	p1 =	seq.s32 s0, $0x0;
	s0 =	simm.s32 $0x1  }
0x1cf: {  	s2 =	simm.s32 $0x1;
	s0 =	simm.s32 @!p1 $0x2  }
0x1d0: {  	s2 =	simm.s32 @!p0 $0x0;
	_ =	swait.ge [sflag:s0], $0x4000  }
0x1d1: {  	s2 =	sshll.u32 s2, $0xE;
	[sflag:s0] =	ssyncset.done $0x0  }
0x1d2: {  	s31 =	sor.u32 $0x80, s2;
	[sflag:s0] =	ssyncadd.s32 $0xFFFFC000  }
0x1d3: {  	v13 =	vld [tilespmem:s31+$0xFFFFFFC0]  }
0x1d4: {  	v8 =	vld [tilespmem:s31+$0x30]  }
0x1d5: {  	v18 =	vld [tilespmem:s31+$0xFFFFFFE0]  }
0x1d6: {  	v10 =	vld [tilespmem:s31+$0x70]  }
0x1d7: {  	v9 =	vld [tilespmem:s31+$0x0]  }
0x1d8: {  	v19 =	vld [tilespmem:s31+$0xFFFFFFD0]  }
0x1d9: {  	v22 =	vld [tilespmem:s31+$0xFFFFFFB0]  }
0x1da: {  	v23 =	vld [tilespmem:s31+$0xFFFFFF90]  }
0x1db: {  	v20 =	vld [tilespmem:s31+$0xFFFFFFA0]  }
0x1dc: {  	v17 =	vld [tilespmem:s31+$0xFFFFFFF0];
	v12 =	vshra.s32 v8, $0x1F  }
0x1dd: {  	v11 =	vld [tilespmem:s31+$0x20];
	v21 =	vshra.s32 v18, $0x1F;
	v14 =	vshra.s32 v10, $0x1F;
	v16 =	vshra.s32 v9, $0x1F  }
0x1de: {  	v25 =	vshra.s32 v13, $0x1F;
	v26 =	vshra.s32 v19, $0x1F;
	v27 =	vshra.s32 v22, $0x1F  }
0x1df: {  	v30 =	vshra.s32 v23, $0x1F;
	v12 =	vor.u32 $0x80000000, v12;
	v28 =	vor.u32 $0x80000000, v21  }
0x1e0: {  	v15 =	vld [tilespmem:s31+$0x10];
	v21 =	vshra.s32 v20, $0x1F;
	v25 =	vor.u32 $0x80000000, v25;
	v27 =	vor.u32 $0x80000000, v27  }
0x1e1: {  	v26 =	vor.u32 $0x80000000, v26;
	v8 =	vxor.u32 v8, v12;
	v12 =	vshra.s32 v17, $0x1F  }
0x1e2: {  	v24 =	vor.u32 $0x80000000, v12;
	v12 =	vor.u32 $0x80000000, v16;
	v16 =	vshra.s32 v11, $0x1F  }
0x1e3: {  	v30 =	vor.u32 $0x80000000, v30;
	v16 =	vor.u32 $0x80000000, v16;
	v17 =	vxor.u32 v17, v24  }
0x1e4: {  	v24 =	vshrl.u32 v17, $0x10;
	v29 =	vand.u32 $0xFFFF, v17;
	v17 =	vor.u32 $0x80000000, v21  }
0x1e5: {  	v21 =	vshra.s32 v15, $0x1F;
	v31 =	vxor.u32 v20, v17;
	vm4 =	veq.s32 v24, v7  }
0x1e6: {  	v24 =	vxor.u32 v23, v30;
	v20 =	vor.u32 $0x80000000, v21;
	v23 =	vshrl.u32 v31, $0x10  }
0x1e7: {  	v17 =	vld [tilespmem:s31+$0x50];
	v21 =	vxor.u32 v19, v26;
	v30 =	vshrl.u32 v24, $0x10;
	vm3 =	veq.s32 v23, v7  }
0x1e8: {  	vm2 =	veq.s32 v30, v7;
	v23 =	vand.u32 $0xFFFF, v31;
	v30 =	vxor.u32 v13, v25  }
0x1e9: {  	v19 =	vand.u32 $0xFFFF, v24;
	v13 =	vxor.u32 v22, v27;
	v25 =	vld [tilespmem:s31+$0x60];
	v22 =	vshrl.u32 v30, $0x10  }
0x1ea: {  	v26 =	vld [tilespmem:s31+$0x40];
	v24 =	vshrl.u32 v13, $0x10;
	v13 =	vand.u32 $0xFFFF, v13;
	vm1 =	veq.s32 v22, v7  }
0x1eb: {  	v22 =	vxor.u32 v18, v28;
	vm0 =	veq.s32 v24, v7;
	v18 =	vand.u32 $0xFFFF, v30;
	v24 =	vld [tilespmem:s31+$0xFFFFFF80]  }
0x1ec: {  	s21 =	simm.s32 $0x0;
	s22 =	sadd.s32 $0x100, s31;
	v28 =	vshrl.u32 v21, $0x10;
	v27 =	vshrl.u32 v22, $0x10;
	[tilespmem:v29+s10+$0x0] =	vst.idx.add.s32.msk vm4, v1;
	v29 =	vshra.s32 v17, $0x1F  }
.LBB2_20:
0x1ed: {  	s21 =	sadd.s32 $0x10, s21;
	[tilespmem:v23+s10+$0x0] =	vst.idx.add.s32.msk vm3, v1;
	vm4 =	veq.s32 v28, v7;
	vm3 =	veq.s32 v27, v7;
	v23 =	vor.u32 $0x80000000, v29  }
0x1ee: {  	v21 =	vand.u32 $0xFFFF, v21;
	v22 =	vand.u32 $0xFFFF, v22;
	v27 =	vld [tilespmem:s22+$0xFFFFFF90];
	p1 =	slt.u32 s21, $0x3F0;
	v28 =	vshra.s32 v25, $0x1F  }
0x1ef: {  	v15 =	vxor.u32 v15, v20;
	v23 =	vxor.u32 v17, v23;
	v29 =	vld [tilespmem:s22+$0xFFFFFFA0];
	v20 =	vshra.s32 v26, $0x1F  }
0x1f0: {  	v31 =	vshrl.u32 v15, $0x10;
	v30 =	vld [tilespmem:s22+$0xFFFFFFB0];
	v17 =	vor.u32 $0x80000000, v20;
	v20 =	vor.u32 $0x80000000, v28  }
0x1f1: {  	v28 =	vld [tilespmem:s22+$0xFFFFFFC0];
	v17 =	vxor.u32 v26, v17;
	v26 =	vshrl.u32 v23, $0x10;
	v20 =	vxor.u32 v25, v20  }
0x1f2: {  	v25 =	vld [tilespmem:s22+$0x30];
	v32 =	vshrl.u32 v17, $0x10;
	v33 =	vand.u32 $0xFFFF, v17;
	v34 =	vshrl.u32 v20, $0x10  }
0x1f3: {  	v35 =	vshra.s32 v24, $0x1F;
	v23 =	vand.u32 $0xFFFF, v23;
	v17 =	vld [tilespmem:s22+$0x50];
	vm6 =	veq.s32 v32, v7  }
0x1f4: {  	v12 =	vxor.u32 v9, v12;
	v9 =	vor.u32 $0x80000000, v14;
	v35 =	vor.u32 $0x80000000, v35;
	v32 =	vld [tilespmem:s22+$0xFFFFFFD0]  }
0x1f5: {  	v9 =	vxor.u32 v10, v9;
	v14 =	vxor.u32 v24, v35;
	vm7 =	veq.s32 v34, v7;
	v36 =	vld [tilespmem:s22+$0xFFFFFFE0]  }
0x1f6: {  	v11 =	vxor.u32 v11, v16;
	v10 =	vshrl.u32 v9, $0x10;
	v16 =	vand.u32 $0xFFFF, v20;
	v24 =	vld [tilespmem:s22+$0xFFFFFFF0]  }
0x1f7: {  	v20 =	vshrl.u32 v14, $0x10;
	[tilespmem:v19+s10+$0x0] =	vst.idx.add.s32.msk vm2, v1;
	v19 =	vshrl.u32 v11, $0x10;
	vm2 =	veq.s32 v10, v7  }
0x1f8: {  	vm8 =	veq.s32 v20, v7;
	v10 =	vld [tilespmem:s22+$0x70];
	vm5 =	veq.s32 v19, v7;
	v19 =	vand.u32 $0xFFFF, v9  }
0x1f9: {  	vm9 =	veq.s32 v26, v7;
	v34 =	vand.u32 $0xFFFF, v11;
	v20 =	vand.u32 $0xFFFF, v14;
	v9 =	vld [tilespmem:s22+$0x0]  }
0x1fa: {  	v26 =	vshrl.u32 v12, $0x10;
	v35 =	vshrl.u32 v8, $0x10;
	v14 =	vshra.s32 v25, $0x1F;
	v11 =	vld [tilespmem:s22+$0x20]  }
0x1fb: {  	vm10 =	veq.s32 v35, v7;
	v35 =	vand.u32 $0xFFFF, v8;
	v14 =	vor.u32 $0x80000000, v14;
	[tilespmem:v16+s10+$0x0] =	vst.idx.add.s32.msk vm7, v1  }
0x1fc: {  	v8 =	vxor.u32 v25, v14;
	v25 =	vand.u32 $0xFFFF, v15;
	v37 =	vshra.s32 v36, $0x1F;
	[tilespmem:v33+s10+$0x0] =	vst.idx.add.s32.msk vm6, v1  }
0x1fd: {  	v16 =	vshra.s32 v24, $0x1F;
	vm6 =	veq.s32 v26, v7;
	v15 =	vld [tilespmem:s22+$0x10];
	v14 =	vshra.s32 v10, $0x1F  }
0x1fe: {  	vm7 =	veq.s32 v31, v7;
	v33 =	vand.u32 $0xFFFF, v12;
	v26 =	vshra.s32 v9, $0x1F;
	[tilespmem:v20+s10+$0x0] =	vst.idx.add.s32.msk vm8, v1  }
0x1ff: {  	v20 =	vor.u32 $0x80000000, v16;
	v12 =	vor.u32 $0x80000000, v26;
	v16 =	vshra.s32 v11, $0x1F;
	[tilespmem:v23+s10+$0x0] =	vst.idx.add.s32.msk vm9, v1  }
0x200: {  	v23 =	vshra.s32 v28, $0x1F;
	v26 =	vshra.s32 v32, $0x1F;
	v16 =	vor.u32 $0x80000000, v16;
	[tilespmem:v18+s10+$0x0] =	vst.idx.add.s32.msk vm1, v1  }
0x201: {  	v31 =	vor.u32 $0x80000000, v37;
	v20 =	vxor.u32 v24, v20;
	v18 =	vshra.s32 v30, $0x1F;
	[tilespmem:v35+s10+$0x0] =	vst.idx.add.s32.msk vm10, v1  }
0x202: {  	v24 =	vshra.s32 v29, $0x1F;
	v37 =	vand.u32 $0xFFFF, v20;
	v35 =	vshrl.u32 v20, $0x10;
	[tilespmem:v34+s10+$0x0] =	vst.idx.add.s32.msk vm5, v1  }
0x203: {  	v20 =	vor.u32 $0x80000000, v24;
	v24 =	vor.u32 $0x80000000, v23;
	v23 =	vshra.s32 v15, $0x1F;
	[tilespmem:v19+s10+$0x0] =	vst.idx.add.s32.msk vm2, v1  }
0x204: {  	v26 =	vor.u32 $0x80000000, v26;
	v18 =	vor.u32 $0x80000000, v18;
	v19 =	vshra.s32 v27, $0x1F;
	[tilespmem:v13+s10+$0x0] =	vst.idx.add.s32.msk vm0, v1  }
0x205: {  	vm5 =	veq.s32 v35, v7;
	v13 =	vor.u32 $0x80000000, v19;
	v19 =	vxor.u32 v29, v20;
	[tilespmem:v21+s10+$0x0] =	vst.idx.add.s32.msk vm4, v1  }
0x206: {  	v20 =	vor.u32 $0x80000000, v23;
	v13 =	vxor.u32 v27, v13;
	v21 =	vshrl.u32 v19, $0x10;
	[tilespmem:v22+s10+$0x0] =	vst.idx.add.s32.msk vm3, v1  }
0x207: {  	v22 =	vshrl.u32 v13, $0x10;
	vm3 =	veq.s32 v21, v7;
	v21 =	vxor.u32 v32, v26;
	[tilespmem:v33+s10+$0x0] =	vst.idx.add.s32.msk vm6, v1  }
.Ltmp8:
0x208: {  	v24 =	vxor.u32 v28, v24;
	v23 =	vand.u32 $0xFFFF, v19;
	vm2 =	veq.s32 v22, v7;
	[tilespmem:v25+s10+$0x0] =	vst.idx.add.s32.msk vm7, v1;
	(pc) =	sbr.rel @p1 .LBB2_20-.Ltmp8, $4  }
0x209: {  	v19 =	vand.u32 $0xFFFF, v13;
	v13 =	vxor.u32 v30, v18;
	v18 =	vshrl.u32 v24, $0x10;
	v25 =	vld [tilespmem:s22+$0x60]  }
0x20a: {  	v27 =	vshrl.u32 v13, $0x10;
	vm1 =	veq.s32 v18, v7;
	v22 =	vxor.u32 v36, v31;
	v26 =	vld [tilespmem:s22+$0x40]  }
0x20b: {  	v13 =	vand.u32 $0xFFFF, v13;
	v18 =	vand.u32 $0xFFFF, v24;
	vm0 =	veq.s32 v27, v7;
	[tilespmem:v37+s10+$0x0] =	vst.idx.add.s32.msk vm5, v1  }
0x20c: {  	v29 =	vshra.s32 v17, $0x1F;
	v28 =	vshrl.u32 v21, $0x10;
	v27 =	vshrl.u32 v22, $0x10;
	v24 =	vld [tilespmem:s22+$0xFFFFFF80];
	s22 =	sadd.s32 $0x100, s22  }
0x20d: {  	v29 =	vor.u32 $0x80000000, v29;
	v14 =	vor.u32 $0x80000000, v14  }
0x20e: {  	v11 =	vxor.u32 v11, v16;
	v55 =	vshrl.u32 v8, $0x10;
	v8 =	vand.u32 $0xFFFF, v8  }
0x20f: {  	vm12 =	veq.s32 v28, v7;
	vm13 =	veq.s32 v27, v7;
	v9 =	vxor.u32 v9, v12  }
0x210: {  	v58 =	vand.u32 $0xFFFF, v21;
	v59 =	vxor.u32 v15, v20;
	v61 =	vand.u32 $0xFFFF, v22  }
0x211: {  	v30 =	vshra.s32 v25, $0x1F;
	v17 =	vxor.u32 v17, v29;
	v10 =	vxor.u32 v10, v14  }
0x212: {  	v56 =	vshrl.u32 v11, $0x10;
	vm9 =	veq.s32 v55, v7;
	v11 =	vand.u32 $0xFFFF, v11  }
0x213: {  	[tilespmem:v23+s10+$0x0] =	vst.idx.add.s32.msk vm3, v1;
	v60 =	vshrl.u32 v9, $0x10;
	v62 =	vshrl.u32 v59, $0x10;
	v63 =	vand.u32 $0xFFFF, v59  }
0x214: {  	[tilespmem:v19+s10+$0x0] =	vst.idx.add.s32.msk vm2, v1;
	v46 =	vshra.s32 v26, $0x1F;
	v30 =	vor.u32 $0x80000000, v30;
	v54 =	vshrl.u32 v17, $0x10  }
0x215: {  	[tilespmem:v18+s10+$0x0] =	vst.idx.add.s32.msk vm1, v1;
	v17 =	vand.u32 $0xFFFF, v17;
	v57 =	vshrl.u32 v10, $0x10;
	vm10 =	veq.s32 v56, v7  }
0x216: {  	[tilespmem:v13+s10+$0x0] =	vst.idx.add.s32.msk vm0, v1;
	v10 =	vand.u32 $0xFFFF, v10;
	vm15 =	veq.s32 v62, v7;
	v29 =	vor.u32 $0x80000000, v46  }
0x217: {  	v47 =	vxor.u32 v25, v30;
	vm7 =	veq.s32 v54, v7;
	vm11 =	veq.s32 v57, v7  }
0x218: {  	v48 =	vshra.s32 v24, $0x1F;
	v49 =	vxor.u32 v26, v29;
	v50 =	vshrl.u32 v47, $0x10;
	[tilespmem:v58+s10+$0x0] =	vst.idx.add.s32.msk vm12, v1  }
0x219: {  	v30 =	vor.u32 $0x80000000, v48;
	vm4 =	veq.s32 v50, v7;
	v52 =	vshrl.u32 v49, $0x10;
	[tilespmem:v61+s10+$0x0] =	vst.idx.add.s32.msk vm13, v1  }
0x21a: {  	v25 =	vand.u32 $0xFFFF, v47;
	v51 =	vxor.u32 v24, v30;
	vm5 =	veq.s32 v52, v7;
	[tilespmem:v8+s10+$0x0] =	vst.idx.add.s32.msk vm9, v1  }
0x21b: {  	vm14 =	veq.s32 v60, v7;
	v26 =	vand.u32 $0xFFFF, v49;
	v53 =	vshrl.u32 v51, $0x10;
	[tilespmem:v11+s10+$0x0] =	vst.idx.add.s32.msk vm10, v1  }
0x21c: {  	v8 =	vand.u32 $0xFFFF, v9;
	vm6 =	veq.s32 v53, v7;
	[tilespmem:v63+s10+$0x0] =	vst.idx.add.s32.msk vm15, v1  }
0x21d: {  	p1 =	seq.s32 s20, $0x10;
	v24 =	vand.u32 $0xFFFF, v51;
	[tilespmem:v17+s10+$0x0] =	vst.idx.add.s32.msk vm7, v1  }
.Ltmp9:
0x21e: {  	[tilespmem:v10+s10+$0x0] =	vst.idx.add.s32.msk vm11, v1;
	(pc) =	sbr.rel @!p1 .LBB2_19-.Ltmp9, $4  }
0x21f: {  	[tilespmem:v25+s10+$0x0] =	vst.idx.add.s32.msk vm4, v1  }
0x220: {  	[tilespmem:v26+s10+$0x0] =	vst.idx.add.s32.msk vm5, v1  }
0x221: {  	[tilespmem:v8+s10+$0x0] =	vst.idx.add.s32.msk vm14, v1  }
0x222: {  	p0 =	por !p0, !p0;
	[tilespmem:v24+s10+$0x0] =	vst.idx.add.s32.msk vm6, v1  }
0x223: {  	s21 =	simm.s32 $0x8100  }
0x224: {  	v7 =	vld [tilespmem:s21+$0x0]  }
0x225: {  	v8 =	vld [tilespmem:s21+$0x10]  }
0x226: {  	v9 =	vld [tilespmem:s21+$0x20]  }
0x227: {  	v10 =	vld [tilespmem:s21+$0x30]  }
0x228: {  	v11 =	vld [tilespmem:s21+$0x40]  }
0x229: {  	v12 =	vld [tilespmem:s21+$0x50]  }
0x22a: {  	v13 =	vld [tilespmem:s21+$0x60]  }
0x22b: {  	v14 =	vld [tilespmem:s21+$0x70]  }
0x22c: {  	v15 =	vld [tilespmem:s21+$0x80]  }
0x22d: {  	v16 =	vld [tilespmem:s21+$0x90]  }
0x22e: {  	v17 =	vld [tilespmem:s21+$0xA0]  }
0x22f: {  	v18 =	vld [tilespmem:s21+$0xB0]  }
0x230: {  	v19 =	vld [tilespmem:s21+$0xC0]  }
0x231: {  	v20 =	vld [tilespmem:s21+$0xD0]  }
0x232: {  	v21 =	vld [tilespmem:s21+$0xE0]  }
0x233: {  	v22 =	vld [tilespmem:s21+$0xF0]  }
0x234: {  	v7 =	vadd.s32 v7, v8;
	v8 =	vld [tilespmem:s21+$0xFFFFFF10]  }
0x235: {  	v7 =	vadd.s32 v9, v7;
	v9 =	vld [tilespmem:s21+$0xFFFFFF00]  }
0x236: {  	v7 =	vadd.s32 v10, v7;
	v10 =	vld [tilespmem:s21+$0xFFFFFF20]  }
0x237: {  	v7 =	vadd.s32 v11, v7;
	v11 =	vld [tilespmem:s21+$0xFFFFFF30]  }
0x238: {  	v7 =	vadd.s32 v12, v7;
	v12 =	vld [tilespmem:s21+$0xFFFFFF40]  }
0x239: {  	v7 =	vadd.s32 v13, v7;
	v13 =	vld [tilespmem:s21+$0xFFFFFF50]  }
0x23a: {  	v7 =	vadd.s32 v14, v7;
	v8 =	vadd.s32 v9, v8;
	v9 =	vld [tilespmem:s21+$0xFFFFFF60]  }
0x23b: {  	v7 =	vadd.s32 v15, v7;
	v8 =	vadd.s32 v10, v8;
	v10 =	vld [tilespmem:s21+$0xFFFFFF70]  }
0x23c: {  	v7 =	vadd.s32 v16, v7;
	v8 =	vadd.s32 v11, v8;
	v11 =	vld [tilespmem:s21+$0xFFFFFF80]  }
0x23d: {  	v7 =	vadd.s32 v17, v7;
	v8 =	vadd.s32 v12, v8;
	v12 =	vld [tilespmem:s21+$0xFFFFFF90]  }
0x23e: {  	v7 =	vadd.s32 v18, v7;
	v8 =	vadd.s32 v13, v8;
	v13 =	vld [tilespmem:s21+$0xFFFFFFA0]  }
0x23f: {  	v14 =	vadd.s32 v19, v7;
	v8 =	vadd.s32 v9, v8;
	v7 =	vld [tilespmem:s21+$0xFFFFFFB0]  }
0x240: {  	v9 =	vadd.s32 v20, v14;
	v10 =	vadd.s32 v10, v8;
	v8 =	vld [tilespmem:s21+$0xFFFFFFC0]  }
0x241: {  	v14 =	vadd.s32 v21, v9;
	v10 =	vadd.s32 v11, v10;
	v9 =	vld [tilespmem:s21+$0xFFFFFFD0]  }
0x242: {  	s16 =	simm.s32 $0x18010;
	v11 =	vadd.s32 v22, v14;
	v12 =	vadd.s32 v12, v10;
	v10 =	vld [tilespmem:s21+$0xFFFFFFE0]  }
0x243: {  	s20 =	simm.s32 $0x0;
	[tilespmem:s16+$0x0] =	vst v11;
	v12 =	vadd.s32 v13, v12;
	v11 =	vld [tilespmem:s21+$0xFFFFFFF0];
	s21 =	simm.s32 $0x8300  }
.LBB2_23:
0x244: {  	v13 =	vld [tilespmem:s21+$0x0];
	v7 =	vadd.s32 v7, v12  }
0x245: {  	s20 =	sadd.s32 $0x2, s20;
	v12 =	vld [tilespmem:s21+$0x10];
	v7 =	vadd.s32 v8, v7  }
0x246: {  	p0 =	slt.u32 s20, $0xFE;
	v8 =	vld [tilespmem:s21+$0x20];
	v7 =	vadd.s32 v9, v7  }
0x247: {  	v9 =	vld [tilespmem:s21+$0x30];
	v7 =	vadd.s32 v10, v7  }
0x248: {  	v10 =	vld [tilespmem:s21+$0x40];
	v7 =	vadd.s32 v11, v7  }
0x249: {  	v11 =	vld [tilespmem:s21+$0x50];
	[tilespmem:s16+$0xFFFFFFF0] =	vst v7  }
0x24a: {  	v7 =	vadd.s32 v13, v12;
	v12 =	vld [tilespmem:s21+$0x60]  }
0x24b: {  	v7 =	vadd.s32 v8, v7;
	v8 =	vld [tilespmem:s21+$0x70]  }
0x24c: {  	v7 =	vadd.s32 v9, v7;
	v9 =	vld [tilespmem:s21+$0x80]  }
0x24d: {  	v7 =	vadd.s32 v10, v7;
	v10 =	vld [tilespmem:s21+$0x90]  }
0x24e: {  	v7 =	vadd.s32 v11, v7;
	v11 =	vld [tilespmem:s21+$0xA0]  }
0x24f: {  	v7 =	vadd.s32 v12, v7;
	v12 =	vld [tilespmem:s21+$0xB0]  }
0x250: {  	v7 =	vadd.s32 v8, v7;
	v8 =	vld [tilespmem:s21+$0xC0]  }
0x251: {  	v7 =	vadd.s32 v9, v7;
	v9 =	vld [tilespmem:s21+$0xD0]  }
0x252: {  	v7 =	vadd.s32 v10, v7;
	v10 =	vld [tilespmem:s21+$0xE0]  }
0x253: {  	v7 =	vadd.s32 v11, v7;
	v11 =	vld [tilespmem:s21+$0xF0]  }
0x254: {  	v13 =	vld [tilespmem:s21+$0xFFFFFF10];
	v7 =	vadd.s32 v12, v7  }
0x255: {  	v12 =	vld [tilespmem:s21+$0xFFFFFF00];
	v7 =	vadd.s32 v8, v7  }
0x256: {  	v8 =	vld [tilespmem:s21+$0xFFFFFF20];
	v7 =	vadd.s32 v9, v7  }
0x257: {  	v9 =	vld [tilespmem:s21+$0xFFFFFF30];
	v7 =	vadd.s32 v10, v7  }
0x258: {  	s16 =	sadd.s32 $0x20, s16;
	v10 =	vld [tilespmem:s21+$0xFFFFFF40];
	v7 =	vadd.s32 v11, v7  }
0x259: {  	v11 =	vld [tilespmem:s21+$0xFFFFFF50];
	[tilespmem:s16+$0x0] =	vst v7  }
0x25a: {  	v7 =	vadd.s32 v12, v13;
	v12 =	vld [tilespmem:s21+$0xFFFFFF60]  }
0x25b: {  	v7 =	vadd.s32 v8, v7;
	v8 =	vld [tilespmem:s21+$0xFFFFFF70]  }
0x25c: {  	v7 =	vadd.s32 v9, v7;
	v9 =	vld [tilespmem:s21+$0xFFFFFF80]  }
0x25d: {  	v7 =	vadd.s32 v10, v7;
	v10 =	vld [tilespmem:s21+$0xFFFFFF90]  }
0x25e: {  	v7 =	vadd.s32 v11, v7;
	v11 =	vld [tilespmem:s21+$0xFFFFFFA0]  }
.Ltmp10:
0x25f: {  	v12 =	vadd.s32 v12, v7;
	v7 =	vld [tilespmem:s21+$0xFFFFFFB0];
	(pc) =	sbr.rel @p0 .LBB2_23-.Ltmp10, $4  }
0x260: {  	v12 =	vadd.s32 v8, v12;
	v8 =	vld [tilespmem:s21+$0xFFFFFFC0]  }
0x261: {  	v12 =	vadd.s32 v9, v12;
	v9 =	vld [tilespmem:s21+$0xFFFFFFD0]  }
0x262: {  	v12 =	vadd.s32 v10, v12;
	v10 =	vld [tilespmem:s21+$0xFFFFFFE0]  }
0x263: {  	v12 =	vadd.s32 v11, v12;
	v11 =	vld [tilespmem:s21+$0xFFFFFFF0];
	s21 =	sadd.s32 $0x200, s21  }
0x264: {  	v7 =	vadd.s32 v7, v12  }
0x265: {  	v7 =	vadd.s32 v8, v7  }
0x266: {  	v7 =	vadd.s32 v9, v7  }
0x267: {  	v7 =	vadd.s32 v10, v7  }
0x268: {  	v7 =	vadd.s32 v11, v7  }
0x269: {  	s0 =	simm.s32 $0x18FF0;
	[tilespmem:s16+$0xFFFFFFF0] =	vst v7  }
0x26a: {  	v7 =	vld [tilespmem:s0+$0xFFFFFF10]  }
0x26b: {  	v8 =	vld [tilespmem:s0+$0xFFFFFF20]  }
0x26c: {  	s2 =	ssub.s32 $0x10, s19;
	v9 =	vld [tilespmem:s0+$0xFFFFFF30]  }
0x26d: {  	v11 =	vmov s2;
	v10 =	vld [tilespmem:s0+$0xFFFFFF40]  }
0x26e: {  	vm0 =	vgt.s32 v11, v0;
	v55 =	vld [tilespmem:s0+$0xFFFFFF50]  }
0x26f: {  	v11 =	vld [tilespmem:s0+$0xFFFFFF60];
	v6 =	vnsel vm0, $0x0, v6  }
0x270: {  	v13 =	vld [tilespmem:s0+$0xFFFFFF70];
	(xrf0) =	vadd.scan.msk.s32 $0xffff, v6;
	v7 =	vadd.s32 v7, v8  }
0x271: {  	v6 =	vld [tilespmem:s0+$0xFFFFFF80];
	v7 =	vadd.s32 v7, v9  }
0x272: {  	v14 =	vld [tilespmem:s0+$0xFFFFFF90];
	v7 =	vadd.s32 v7, v10  }
0x273: {  	v15 =	vld [tilespmem:s0+$0xFFFFFFA0];
	v7 =	vadd.s32 v7, v55  }
0x274: {  	v16 =	vld [tilespmem:s0+$0xFFFFFFB0];
	v7 =	vadd.s32 v7, v11  }
0x275: {  	v8 =	vld [tilespmem:s0+$0xFFFFFFC0];
	v7 =	vadd.s32 v7, v13  }
0x276: {  	v9 =	vld [tilespmem:s0+$0xFFFFFFD0];
	v17, _, _ =	vpop (xrf0);
	v6 =	vadd.s32 v7, v6  }
0x277: {  	v10 =	vld [tilespmem:s0+$0xFFFFFFE0];
	(v2sf) =	vpush v17, $0xF;
	v6 =	vadd.s32 v6, v14  }
0x278: {  	v56 =	vld [tilespmem:s0+$0xFFFFFFF0];
	v6 =	vadd.s32 v6, v15  }
0x279: {  	s30 =	simm.s32 $0x18EF0;
	v11 =	vld [tilespmem:s0+$0x0];
	v6 =	vadd.s32 v6, v16  }
0x27a: {  	v57 =	vld [tilespmem:s30+$0xFFFFFF10];
	v6 =	vadd.s32 v6, v8  }
0x27b: {  	v7 =	vld [tilespmem:s30+$0xFFFFFF20];
	v6 =	vadd.s32 v6, v9  }
0x27c: {  	v58 =	vld [tilespmem:s30+$0xFFFFFF30];
	v6 =	vadd.s32 v6, v10  }
0x27d: {  	v59 =	vld [tilespmem:s30+$0xFFFFFF40];
	v6 =	vadd.s32 v6, v56  }
0x27e: {  	v60 =	vld [tilespmem:s30+$0xFFFFFF50];
	v6 =	vadd.s32 v6, v11  }
0x27f: {  	v8 =	vld [tilespmem:s30+$0xFFFFFF60];
	(xrf0) =	vadd.scan.msk.s32 $0xffff, v6  }
0x280: {  	v7 =	vadd.s32 v57, v7;
	v9 =	vld [tilespmem:s30+$0xFFFFFF70]  }
0x281: {  	v7 =	vadd.s32 v7, v58;
	v10 =	vld [tilespmem:s30+$0xFFFFFF80]  }
0x282: {  	v61 =	vld [tilespmem:s30+$0xFFFFFF90];
	v7 =	vadd.s32 v7, v59  }
0x283: {  	v7 =	vadd.s32 v7, v60;
	v11 =	vld [tilespmem:s30+$0xFFFFFFA0]  }
0x284: {  	v6 =	vadd.s32 v7, v8;
	v8 =	vld [tilespmem:s30+$0xFFFFFFB0]  }
0x285: {  	v6 =	vadd.s32 v6, v9;
	v9 =	vld [tilespmem:s30+$0xFFFFFFC0];
	v62, _, _ =	vpop (xrf0)  }
0x286: {  	v6 =	vadd.s32 v6, v10;
	v10 =	vld [tilespmem:s30+$0xFFFFFFD0];
	s31 =	spop (v2sf);
	(v2sf) =	vpush v62, $0xF  }
0x287: {  	v7 =	vadd.s32 v6, v61;
	v6 =	vld [tilespmem:s30+$0xFFFFFFE0]  }
0x288: {  	s23 =	simm.s32 $0xF;
	v11 =	vadd.s32 v7, v11;
	v7 =	vld [tilespmem:s30+$0xFFFFFFF0]  }
0x289: {  	s25 =	simm.s32 $0x18DF0;
	s22 =	simm.s32 $0xE;
	s21 =	simm.s32 $0xD;
	v11 =	vadd.s32 v11, v8;
	v8 =	vld [tilespmem:s30+$0x0]  }
0x28a: {  	s26 =	simm.s32 $0xC;
	s24 =	simm.s32 $0x0;
	s20 =	simm.s32 $0x0;
	v63 =	vadd.s32 v11, v9;
	v9 =	vld [tilespmem:s25+$0xFFFFFF10]  }
0x28b: {  	s19 =	simm.s32 $0x0;
	s16 =	simm.s32 $0x0;
	s18 =	ssub.s32 s18, s31;
	v11 =	vld [tilespmem:s25+$0xFFFFFF20];
	v10 =	vadd.s32 v63, v10  }
.LBB2_25:
0x28c: {  	p0 =	sne.s32 s26, $0x0;
	v12 =	vld [tilespmem:s25+$0xFFFFFF30];
	v6 =	vadd.s32 v10, v6;
	s0 =	smov.u32 s21;
	s21 =	smov.u32 s26  }
0x28d: {  	v10 =	vld [tilespmem:s25+$0xFFFFFF40];
	v6 =	vadd.s32 v6, v7  }
0x28e: {  	v7 =	vld [tilespmem:s25+$0xFFFFFF50];
	v6 =	vadd.s32 v6, v8  }
0x28f: {  	v8 =	vld [tilespmem:s25+$0xFFFFFF60];
	(xrf0) =	vadd.scan.msk.s32 $0xffff, v6  }
0x290: {  	v6 =	vadd.s32 v9, v11;
	v9 =	vld [tilespmem:s25+$0xFFFFFF70]  }
0x291: {  	v6 =	vadd.s32 v6, v12;
	v11 =	vld [tilespmem:s25+$0xFFFFFF80]  }
0x292: {  	v6 =	vadd.s32 v6, v10;
	v10 =	vld [tilespmem:s25+$0xFFFFFF90]  }
0x293: {  	v6 =	vadd.s32 v6, v7;
	v7 =	vld [tilespmem:s25+$0xFFFFFFA0]  }
0x294: {  	v6 =	vadd.s32 v6, v8;
	v8 =	vld [tilespmem:s25+$0xFFFFFFB0]  }
0x295: {  	v6 =	vadd.s32 v6, v9;
	v12 =	vld [tilespmem:s25+$0xFFFFFFC0];
	v9, _, _ =	vpop (xrf0);
	s2 =	spop (v2sf)  }
0x296: {  	v6 =	vadd.s32 v6, v11;
	v13 =	vld [tilespmem:s25+$0xFFFFFFD0];
	(v2sf) =	vpush v9, $0xF;
	s24 =	sadd.s32 s24, s2  }
.Ltmp11:
0x297: {  	p1 =	slt.s32 s20, s18;
	v9 =	vadd.s32 v6, v10;
	v6 =	vld [tilespmem:s25+$0xFFFFFFE0];
	p2 =	sge.s32 s24, s18;
	(pc) =	sbr.rel @p0 .LBB2_25-.Ltmp11, $4  }
0x298: {  	v9 =	vadd.s32 v9, v7;
	v7 =	vld [tilespmem:s25+$0xFFFFFFF0];
	p1 =	por !p1, !p2  }
0x299: {  	v10 =	vadd.s32 v9, v8;
	v8 =	vld [tilespmem:s25+$0x0];
	s25 =	sadd.s32 $0xFFFFFF00, s25;
	p1 =	por !p1, !p1  }
0x29a: {  	v9 =	vld [tilespmem:s25+$0xFFFFFF10];
	v10 =	vadd.s32 v10, v12;
	s16 =	smov.u32 @p1 s23;
	s19 =	smov.u32 @p1 s20;
	s20 =	smov.u32 s24  }
0x29b: {  	s26 =	sadd.s32 $0xFFFFFFFF, s26;
	s23 =	smov.u32 s22;
	s22 =	smov.u32 s0;
	v11 =	vld [tilespmem:s25+$0xFFFFFF20];
	v10 =	vadd.s32 v10, v13  }
0x29c: {  	v12 =	vld [tilespmem:s25+$0xFFFFFF30]  }
0x29d: {  	v13 =	vld [tilespmem:s25+$0xFFFFFF40]  }
0x29e: {  	v14 =	vld [tilespmem:s25+$0xFFFFFF50]  }
0x29f: {  	v15 =	vld [tilespmem:s25+$0xFFFFFF60]  }
0x2a0: {  	v54 =	vld [tilespmem:s25+$0xFFFFFF70];
	v9 =	vadd.s32 v9, v11  }
0x2a1: {  	v55 =	vld [tilespmem:s25+$0xFFFFFF80];
	v9 =	vadd.s32 v9, v12  }
0x2a2: {  	v56 =	vld [tilespmem:s25+$0xFFFFFF90];
	v9 =	vadd.s32 v9, v13  }
0x2a3: {  	v57 =	vld [tilespmem:s25+$0xFFFFFFA0];
	v9 =	vadd.s32 v9, v14  }
0x2a4: {  	v58 =	vld [tilespmem:s25+$0xFFFFFFB0];
	v9 =	vadd.s32 v9, v15  }
0x2a5: {  	v59 =	vld [tilespmem:s25+$0xFFFFFFC0];
	v9 =	vadd.s32 v9, v54  }
0x2a6: {  	v60 =	vld [tilespmem:s25+$0xFFFFFFD0];
	v9 =	vadd.s32 v9, v55  }
0x2a7: {  	v61 =	vld [tilespmem:s25+$0xFFFFFFE0];
	v9 =	vadd.s32 v9, v56  }
0x2a8: {  	v62 =	vld [tilespmem:s25+$0xFFFFFFF0];
	v9 =	vadd.s32 v9, v57  }
0x2a9: {  	v63 =	vld [tilespmem:s25+$0x0];
	v9 =	vadd.s32 v9, v58  }
0x2aa: {  	v9 =	vadd.s32 v9, v59  }
0x2ab: {  	v6 =	vadd.s32 v10, v6;
	v9 =	vadd.s32 v9, v60  }
0x2ac: {  	v6 =	vadd.s32 v6, v7;
	v7 =	vadd.s32 v9, v61  }
0x2ad: {  	v6 =	vadd.s32 v6, v8;
	v7 =	vadd.s32 v7, v62  }
0x2ae: {  	(xrf0) =	vadd.scan.msk.s32 $0xffff, v6;
	v6 =	vadd.s32 v7, v63  }
0x2af: {  	(xrf0) =	vadd.scan.msk.s32 $0xffff, v6;
	_ =	sdelay $0x4  }
0x2b0: {  	v6, _, _ =	vpop (xrf0)  }
0x2b1: {  	(v2sf) =	vpush v6, $0xF;
	v6, _, _ =	vpop (xrf0)  }
0x2b2: {  	(v2sf) =	vpush v6, $0xF;
	_ =	sdelay $0xb  }
0x2b3: {  	s0 =	spop (v2sf)  }
0x2b4: {  	p0 =	slt.s32 s20, s18;
	s0 =	sadd.s32 s24, s0  }
0x2b5: {  	p1 =	sge.s32 s0, s18;
	p3 =	slt.s32 s0, s18;
	s2 =	spop (v2sf)  }
0x2b6: {  	p0 =	por !p0, !p1;
	s2 =	sadd.s32 s0, s2;
	s29 =	spop (v2sf)  }
0x2b7: {  	p0 =	por !p0, !p0;
	p2 =	sge.s32 s2, s18;
	s24 =	sadd.s32 s2, s29  }
0x2b8: {  	p4 =	slt.s32 s2, s18;
	p1 =	por !p3, !p2;
	p3 =	sge.s32 s24, s18  }
0x2b9: {  	s16 =	smov.u32 @p0 s23;
	p2 =	por !p1, !p1;
	p3 =	por !p4, !p3  }
0x2ba: {  	s16 =	smov.u32 @p2 s22;
	p1 =	por !p3, !p3  }
0x2bb: {  	s16 =	smov.u32 @p1 s21  }
0x2bc: {  	s21 =	sshll.u32 s16, $0x8  }
0x2bd: {  	s30 =	simm.s32 $0xF0;
	s21 =	sand.u32 $0x3FFFFF00, s21  }
0x2be: {  	s31 =	sand.u32 $0x80, s30;
	s23 =	sadd.s32 $0x18000, s21  }
0x2bf: {  	s22 =	sand.u32 $0x70, s30;
	s21 =	sadd.s32 s31, s23  }
0x2c0: {  	s21 =	sadd.s32 s22, s21  }
0x2c1: {  	v6 =	vld [tilespmem:s21+$0x0];
	_ =	sdelay $0x4  }
0x2c2: {  	(xrf0) =	vadd.scan.msk.s32 $0xffff, v6;
	_ =	sdelay $0x2  }
0x2c3: {  	s22 =	simm.s32 $0xE0  }
0x2c4: {  	s24 =	sand.u32 $0x80, s22  }
0x2c5: {  	s21 =	sand.u32 $0x70, s22;
	s22 =	sadd.s32 s24, s23  }
0x2c6: {  	s25 =	simm.s32 $0xD0;
	s21 =	sadd.s32 s21, s22;
	v6, _, _ =	vpop (xrf0)  }
0x2c7: {  	s28 =	simm.s32 $0xC0;
	s26 =	sand.u32 $0x80, s25;
	(v2sf) =	vpush v6, $0xF;
	v6 =	vld [tilespmem:s21+$0x0]  }
0x2c8: {  	s24 =	sand.u32 $0x70, s25;
	s22 =	sadd.s32 s26, s23;
	s26 =	sand.u32 $0x80, s28  }
0x2c9: {  	s30 =	sand.u32 $0x70, s28;
	s29 =	sadd.s32 s24, s22;
	s31 =	sadd.s32 s26, s23  }
0x2ca: {  	v7 =	vld [tilespmem:s29+$0x0];
	s22 =	sadd.s32 s30, s31  }
0x2cb: {  	v8 =	vld [tilespmem:s22+$0x0]  }
0x2cc: {  	(xrf0) =	vadd.scan.msk.s32 $0xffff, v6;
	_ =	sdelay $0x2  }
0x2cd: {  	(xrf0) =	vadd.scan.msk.s32 $0xffff, v7  }
0x2ce: {  	(xrf0) =	vadd.scan.msk.s32 $0xffff, v8;
	_ =	sdelay $0x1  }
0x2cf: {  	v7, _, _ =	vpop (xrf0)  }
0x2d0: {  	(v2sf) =	vpush v7, $0xF;
	_ =	sdelay $0x1  }
0x2d1: {  	s24 =	simm.s32 $0xB0;
	v7, _, _ =	vpop (xrf0)  }
0x2d2: {  	s19 =	smov.u32 @p0 s20;
	s25 =	sand.u32 $0x80, s24;
	(v2sf) =	vpush v7, $0xF;
	v7, _, _ =	vpop (xrf0)  }
0x2d3: {  	s26 =	sand.u32 $0x70, s24;
	s20 =	sadd.s32 s25, s23;
	s29 =	spop (v2sf);
	(v2sf) =	vpush v7, $0xF  }
0x2d4: {  	s19 =	smov.u32 @p2 s0;
	s0 =	sadd.s32 s26, s20  }
0x2d5: {  	s19 =	smov.u32 @p1 s2;
	v6 =	vld [tilespmem:s0+$0x0]  }
0x2d6: {  	s18 =	ssub.s32 s18, s19  }
0x2d7: {  	p5 =	sgt.s32 s18, $0x0;
	s28 =	simm.s32 $0xA0;
	s24 =	simm.s32 $0xF  }
0x2d8: {  	s30 =	sand.u32 $0x80, s28;
	s22 =	simm.s32 $0x0;
	s19 =	sadd.s32 $0x0, s29  }
0x2d9: {  	s31 =	sadd.s32 s30, s23;
	s0 =	sand.u32 $0x70, s28;
	p6 =	sge.s32 s19, s18  }
0x2da: {  	s25 =	simm.s32 $0x90;
	s0 =	sadd.s32 s0, s31;
	(xrf0) =	vadd.scan.msk.s32 $0xffff, v6;
	p0 =	por !p5, !p6  }
0x2db: {  	s20 =	simm.s32 $0x0;
	s21 =	simm.s32 $0x0;
	v6 =	vld [tilespmem:s0+$0x0];
	p0 =	por !p0, !p0  }
.LBB2_27:
0x2dc: {  	s0 =	sand.u32 $0x80, s25;
	s22 =	smov.u32 @p0 s24;
	s20 =	smov.u32 @p0 s21  }
0x2dd: {  	s2 =	smov.u32 s25;
	s21 =	smov.u32 s19;
	p1 =	sne.s32 s25, $0x0  }
.Ltmp12:
0x2de: {  	s25 =	sadd.s32 $0xFFFFFFF0, s25;
	s26 =	spop (v2sf);
	(pc) =	sbr.rel @p1 .LBB2_27-.Ltmp12, $4  }
0x2df: {  	s2 =	sand.u32 $0x70, s2;
	s0 =	sadd.s32 s0, s23;
	s19 =	sadd.s32 s19, s26  }
0x2e0: {  	p0 =	slt.s32 s21, s18;
	s0 =	sadd.s32 s2, s0;
	(xrf0) =	vadd.scan.msk.s32 $0xffff, v6;
	v7, _, _ =	vpop (xrf0);
	p2 =	sge.s32 s19, s18  }
0x2e1: {  	v6 =	vld [tilespmem:s0+$0x0];
	(v2sf) =	vpush v7, $0xF;
	p0 =	por !p0, !p2  }
0x2e2: {  	s24 =	sadd.s32 $0xFFFFFFFF, s24;
	p0 =	por !p0, !p0  }
0x2e3: {  	_ =	sdelay $0x2  }
0x2e4: {  	(xrf0) =	vadd.scan.msk.s32 $0xffff, v6;
	_ =	sdelay $0x4  }
0x2e5: {  	v6, _, _ =	vpop (xrf0)  }
0x2e6: {  	(v2sf) =	vpush v6, $0xF;
	v6, _, _ =	vpop (xrf0)  }
0x2e7: {  	(v2sf) =	vpush v6, $0xF  }
0x2e8: {  	s0 =	spop (v2sf)  }
0x2e9: {  	s23 =	sadd.s32 s19, s0  }
0x2ea: {  	p1 =	slt.s32 s19, s18;
	p2 =	sge.s32 s23, s18  }
0x2eb: {  	s28 =	spop (v2sf);
	p1 =	por !p1, !p2  }
0x2ec: {  	s25 =	sadd.s32 s23, s28;
	s2 =	simm.s32 @!p1 $0x0  }
0x2ed: {  	p3 =	sge.s32 s25, s18;
	s2 =	simm.s32 @p1 $0x1;
	p1 =	slt.s32 s23, s18  }
0x2ee: {  	p1 =	por !p1, !p3  }
0x2ef: {  	[smem:$0x7F8] =	sst s2;
	s2 =	simm.s32 @!p1 $0x0  }
0x2f0: {  	s2 =	simm.s32 @p1 $0x1  }
0x2f1: {  	[smem:$0x7F9] =	sst s2;
	s29 =	spop (v2sf)  }
0x2f2: {  	s2 =	sld [smem:$0x7F8];
	s28 =	sadd.s32 s25, s29  }
0x2f3: {  	p3 =	slt.s32 s25, s18;
	p4 =	sge.s32 s28, s18  }
0x2f4: {  	s22 =	smov.u32 @p0 s24;
	p3 =	por !p3, !p4  }
0x2f5: {  	p4 =	seq.s32 s2, $0x1;
	s2 =	sld [smem:$0x7F9];
	s30 =	spop (v2sf)  }
0x2f6: {  	p5 =	slt.s32 s28, s18;
	s26 =	sadd.s32 s28, s30;
	s31 =	spop (v2sf)  }
0x2f7: {  	p6 =	sge.s32 s26, s18;
	p2 =	slt.s32 s26, s18;
	s0 =	sadd.s32 s26, s31  }
0x2f8: {  	p6 =	por !p5, !p6;
	p5 =	seq.s32 s2, $0x1;
	p1 =	sge.s32 s0, s18  }
0x2f9: {  	s0 =	sadd.s32 $0xFFFFFFFF, s24;
	p2 =	por !p2, !p1;
	p1 =	por !p4, !p4  }
0x2fa: {  	p5 =	por !p5, !p5;
	s22 =	smov.u32 @p1 s0;
	s0 =	sadd.s32 $0xFFFFFFFF, s0  }
0x2fb: {  	p4 =	por !p3, !p3;
	s22 =	smov.u32 @p5 s0;
	s0 =	sadd.s32 $0xFFFFFFFF, s0  }
0x2fc: {  	p3 =	por !p6, !p6;
	s22 =	smov.u32 @p4 s0;
	s0 =	sadd.s32 $0xFFFFFFFF, s0  }
0x2fd: {  	p2 =	por !p2, !p2;
	s22 =	smov.u32 @p3 s0;
	s0 =	sadd.s32 $0xFFFFFFFF, s0  }
0x2fe: {  	s29 =	sshll.u32 s16, $0x4;
	s22 =	smov.u32 @p2 s0  }
0x2ff: {  	s0 =	sor.u32 s29, s22  }
0x300: {  	s16 =	sshll.u32 s0, $0x8  }
0x301: {  	s30 =	simm.s32 $0xF0;
	s0 =	sand.u32 $0x3FFFFF00, s16  }
0x302: {  	s31 =	sand.u32 $0x80, s30;
	s22 =	sadd.s32 $0x8000, s0  }
0x303: {  	s2 =	sand.u32 $0x70, s30;
	s0 =	sadd.s32 s31, s22  }
0x304: {  	s0 =	sadd.s32 s2, s0  }
0x305: {  	v6 =	vld [tilespmem:s0+$0x0];
	_ =	sdelay $0x4  }
0x306: {  	(xrf0) =	vadd.scan.msk.s32 $0xffff, v6;
	_ =	sdelay $0x2  }
0x307: {  	s24 =	simm.s32 $0xE0  }
0x308: {  	s29 =	sand.u32 $0x80, s24  }
0x309: {  	s2 =	sadd.s32 s29, s22;
	s0 =	sand.u32 $0x70, s24  }
0x30a: {  	s30 =	simm.s32 $0xD0;
	s0 =	sadd.s32 s0, s2;
	v6, _, _ =	vpop (xrf0)  }
0x30b: {  	s31 =	sand.u32 $0x80, s30;
	s29 =	simm.s32 $0xC0;
	(v2sf) =	vpush v6, $0xF;
	v6 =	vld [tilespmem:s0+$0x0]  }
0x30c: {  	s24 =	sand.u32 $0x70, s30;
	s30 =	sand.u32 $0x80, s29;
	s2 =	sadd.s32 s31, s22  }
0x30d: {  	s29 =	sand.u32 $0x70, s29;
	s31 =	sadd.s32 s30, s22;
	s24 =	sadd.s32 s24, s2  }
0x30e: {  	s2 =	sadd.s32 s29, s31;
	v7 =	vld [tilespmem:s24+$0x0]  }
0x30f: {  	v8 =	vld [tilespmem:s2+$0x0]  }
0x310: {  	(xrf0) =	vadd.scan.msk.s32 $0xffff, v6;
	_ =	sdelay $0x2  }
0x311: {  	(xrf0) =	vadd.scan.msk.s32 $0xffff, v7  }
0x312: {  	(xrf0) =	vadd.scan.msk.s32 $0xffff, v8;
	_ =	sdelay $0x1  }
0x313: {  	v7, _, _ =	vpop (xrf0)  }
0x314: {  	s20 =	smov.u32 @p0 s21;
	(v2sf) =	vpush v7, $0xF  }
0x315: {  	s20 =	smov.u32 @p1 s19  }
0x316: {  	s20 =	smov.u32 @p5 s23;
	s24 =	simm.s32 $0xB0;
	v7, _, _ =	vpop (xrf0)  }
0x317: {  	s20 =	smov.u32 @p4 s25;
	s25 =	sand.u32 $0x80, s24;
	(v2sf) =	vpush v7, $0xF;
	v7, _, _ =	vpop (xrf0)  }
0x318: {  	s2 =	sadd.s32 s25, s22;
	s0 =	sand.u32 $0x70, s24;
	s29 =	spop (v2sf);
	(v2sf) =	vpush v7, $0xF  }
0x319: {  	s0 =	sadd.s32 s0, s2  }
0x31a: {  	s20 =	smov.u32 @p3 s28;
	v6 =	vld [tilespmem:s0+$0x0]  }
0x31b: {  	s19 =	simm.s32 $0x0;
	s20 =	smov.u32 @p2 s26  }
0x31c: {  	s23 =	simm.s32 $0xF;
	s28 =	simm.s32 $0xA0;
	s18 =	ssub.s32 s18, s20  }
0x31d: {  	p5 =	sgt.s32 s18, $0x0;
	s30 =	sand.u32 $0x80, s28;
	s21 =	sadd.s32 $0x0, s29  }
0x31e: {  	s31 =	sadd.s32 s30, s22;
	s0 =	sand.u32 $0x70, s28;
	p6 =	sge.s32 s21, s18  }
0x31f: {  	s20 =	simm.s32 $0x0;
	s0 =	sadd.s32 s0, s31;
	(xrf0) =	vadd.scan.msk.s32 $0xffff, v6;
	p0 =	por !p5, !p6  }
0x320: {  	s25 =	simm.s32 $0x90;
	s24 =	simm.s32 $0x0;
	v6 =	vld [tilespmem:s0+$0x0];
	p0 =	por !p0, !p0  }
.LBB2_29:
0x321: {  	s0 =	sand.u32 $0x80, s25;
	s20 =	smov.u32 @p0 s23;
	s19 =	smov.u32 @p0 s24  }
0x322: {  	s2 =	smov.u32 s25;
	s24 =	smov.u32 s21;
	p1 =	sne.s32 s25, $0x0  }
.Ltmp13:
0x323: {  	s25 =	sadd.s32 $0xFFFFFFF0, s25;
	s26 =	spop (v2sf);
	(pc) =	sbr.rel @p1 .LBB2_29-.Ltmp13, $4  }
0x324: {  	s2 =	sand.u32 $0x70, s2;
	s0 =	sadd.s32 s0, s22;
	s21 =	sadd.s32 s21, s26  }
0x325: {  	p0 =	slt.s32 s24, s18;
	s0 =	sadd.s32 s2, s0;
	(xrf0) =	vadd.scan.msk.s32 $0xffff, v6;
	v7, _, _ =	vpop (xrf0);
	p2 =	sge.s32 s21, s18  }
0x326: {  	v6 =	vld [tilespmem:s0+$0x0];
	(v2sf) =	vpush v7, $0xF;
	p0 =	por !p0, !p2  }
0x327: {  	s23 =	sadd.s32 $0xFFFFFFFF, s23;
	p0 =	por !p0, !p0  }
0x328: {  	_ =	sdelay $0x2  }
0x329: {  	(xrf0) =	vadd.scan.msk.s32 $0xffff, v6;
	_ =	sdelay $0x4  }
0x32a: {  	v6, _, _ =	vpop (xrf0)  }
0x32b: {  	(v2sf) =	vpush v6, $0xF;
	v6, _, _ =	vpop (xrf0)  }
0x32c: {  	(v2sf) =	vpush v6, $0xF;
	_ =	sdelay $0xa  }
0x32d: {  	s0 =	spop (v2sf)  }
0x32e: {  	s2 =	spop (v2sf);
	s0 =	sadd.s32 s21, s0  }
0x32f: {  	s2 =	sadd.s32 s0, s2;
	s22 =	spop (v2sf)  }
0x330: {  	s22 =	sadd.s32 s2, s22;
	s25 =	spop (v2sf)  }
0x331: {  	s25 =	sadd.s32 s22, s25;
	s26 =	spop (v2sf)  }
0x332: {  	s26 =	sadd.s32 s25, s26  }
0x333: {  	p1 =	sge.s32 s26, s18  }
0x334: {  	p2 =	slt.s32 s21, s18;
	p3 =	sge.s32 s0, s18;
	s26 =	simm.s32 @!p1 $0x0  }
0x335: {  	s26 =	simm.s32 @p1 $0x1;
	p1 =	por !p2, !p3  }
0x336: {  	[smem:$0x7F6] =	sst s26;
	s26 =	simm.s32 @!p1 $0x0  }
0x337: {  	p5 =	slt.s32 s0, s18;
	s26 =	simm.s32 @p1 $0x1;
	s30 =	sld [smem:$0x7F6]  }
0x338: {  	p4 =	sge.s32 s2, s18;
	p6 =	slt.s32 s22, s18;
	[smem:$0x7F7] =	sst s26  }
0x339: {  	p3 =	por !p5, !p4;
	p4 =	slt.s32 s2, s18;
	s31 =	sld [smem:$0x7F7]  }
0x33a: {  	p5 =	sge.s32 s22, s18;
	p2 =	slt.s32 s25, s18;
	p1 =	sge.s32 s25, s18  }
0x33b: {  	p4 =	por !p4, !p5;
	p5 =	por !p6, !p1;
	p6 =	seq.s32 s30, $0x1  }
0x33c: {  	p6 =	por !p2, !p6;
	p2 =	seq.s32 s31, $0x1  }
0x33d: {  	s20 =	smov.u32 @p0 s23;
	s23 =	sadd.s32 $0xFFFFFFFF, s23;
	p1 =	por !p2, !p2  }
0x33e: {  	p2 =	por !p3, !p3;
	s20 =	smov.u32 @p1 s23;
	s23 =	sadd.s32 $0xFFFFFFFF, s23  }
0x33f: {  	p3 =	por !p4, !p4;
	s20 =	smov.u32 @p2 s23;
	s23 =	sadd.s32 $0xFFFFFFFF, s23  }
0x340: {  	p4 =	por !p5, !p5;
	s20 =	smov.u32 @p3 s23;
	s23 =	sadd.s32 $0xFFFFFFFF, s23  }
0x341: {  	p5 =	por !p6, !p6;
	s20 =	smov.u32 @p4 s23;
	s23 =	sadd.s32 $0xFFFFFFFF, s23  }
0x342: {  	s20 =	smov.u32 @p5 s23  }
0x343: {  	s20 =	sshll.u32 s20, $0x4  }
0x344: {  	s20 =	sor.u32 s16, s20;
	s16 =	simm.s32 $0x8040  }
0x345: {  	v6 =	vld [tilespmem:s20+$0x8000];
	[tilespmem:s16+$0xFFFFFFC0] =	vst v3  }
0x346: {  	s19 =	smov.u32 @p0 s24;
	[tilespmem:s16+$0x30] =	vst v3  }
0x347: {  	s19 =	smov.u32 @p1 s21;
	[tilespmem:s16+$0x20] =	vst v3  }
0x348: {  	s19 =	smov.u32 @p2 s0;
	[tilespmem:s16+$0x10] =	vst v3  }
0x349: {  	s19 =	smov.u32 @p3 s2;
	[tilespmem:s16+$0x0] =	vst v3  }
0x34a: {  	s19 =	smov.u32 @p4 s22;
	[tilespmem:s16+$0xFFFFFFF0] =	vst v3  }
0x34b: {  	s21 =	simm.s32 $0x0;
	s19 =	smov.u32 @p5 s25;
	[tilespmem:s16+$0xFFFFFFE0] =	vst v3;
	v6 =	vperm.xlane v6, v2  }
.LBB2_31:
0x34c: {  	s21 =	sadd.s32 $0x8, s21;
	[tilespmem:s16+$0xFFFFFFD0] =	vst v3;
	s16 =	sadd.s32 $0x80, s16  }
0x34d: {  	[tilespmem:s16+$0xFFFFFFC0] =	vst v3;
	p0 =	slt.u32 s21, $0xFF8  }
0x34e: {  	[tilespmem:s16+$0x30] =	vst v3  }
.Ltmp14:
0x34f: {  	[tilespmem:s16+$0x20] =	vst v3;
	(pc) =	sbr.rel @p0 .LBB2_31-.Ltmp14, $4  }
0x350: {  	[tilespmem:s16+$0x10] =	vst v3  }
0x351: {  	[tilespmem:s16+$0x0] =	vst v3  }
0x352: {  	[tilespmem:s16+$0xFFFFFFF0] =	vst v3  }
0x353: {  	[tilespmem:s16+$0xFFFFFFE0] =	vst v3  }
0x354: {  	(xrf0) =	vadd.scan.msk.s32 $0xffff, v6;
	_ =	sdelay $0x5  }
0x355: {  	s0 =	ssub.s32 s18, s19;
	v6, _, _ =	vpop (xrf0)  }
0x356: {  	vm0 =	vge.s32 v6, s0  }
0x357: {  	v6 =	vsel vm0, $0x1, v3  }
0x358: {  	(xrf0) =	vadd.scan.msk.s32 $0xffff, v6;
	_ =	sdelay $0x5  }
0x359: {  	v6, _, _ =	vpop (xrf0)  }
0x35a: {  	(v2sf) =	vpush v6, $0xF;
	_ =	sdelay $0xe  }
0x35b: {  	s31 =	spop (v2sf)  }
0x35c: {  	s0 =	sadd.s32 s31, s20  }
0x35d: {  	s2 =	sshll.u32 s17, $0x10;
	s0 =	sadd.s32 $0xFFFFFFFF, s0  }
0x35e: {  	s0 =	sor.u32 s2, s0  }
0x35f: {  	v6 =	vmov s0  }
0x360: {  	vm14 =	vgt.s32 v6, $0xFFFFFFFF;
	v6 =	vmov s15;
	s15 =	sadd.s32 $0x1, s15  }
0x361: {  	p0 =	sne.s32 s15, $0x4  }
.Ltmp15:
0x362: {  	_ = 	snop;
	(pc) =	sbr.rel @p0 .LBB2_4-.Ltmp15, $4  }
0x363: {  	_ = 	snop  }
0x364: {  	v7 =	vsel vm14, $0xFFFFFFFF, v4  }
0x365: {  	vm15 =	veq.s32 v6, v0;
	v7 =	vxor.u32 s0, v7  }
0x366: {  	[tilespmem:s16+$0xFFFFFFD0] =	vst v3;
	v5 =	vsel vm15, v7, v5  }
0x367: {  	s13 =	sadd.s32 $0x1, s13  }
0x368: {  	p0 =	sne.s32 s13, s7  }
.Ltmp16:
0x369: {  	[tilespmem:$0x19000] =	vst v5;
	(pc) =	sbr.rel @p0 .LBB2_1-.Ltmp16, $4  }
0x36a: {  	[hbm4b:s6+s3] =	stream.linear.scatter [tilespmem:s11], [sflag:$0x3], $0x10, $0x38;
	[tilespmem:$0x19080] =	vst v63  }
0x36b: {  	_ =	swait.ge [sflag:s12], $0x10  }
0x36c: {  	[sflag:s12] =	ssyncset.done $0x0  }
0x36d: {  	[sflag:s12] =	ssyncadd.s32 $0xFFFFFFF0  }
0x36e: {  	_ =	sfence.sel $0x180000  }
0x36f: {  	[bflag:$0x0] =	sbarrier.arrive $0xFFFF  }
0x370: {  	_ =	strace $0x90000047  }
0x371: {  	s0 =	stileid.u32;
	[bflag:$0x2] =	sbarrier.arrive $0xFFFF  }
0x372: {  	p0 =	sne.s32 s0, $0x0;
	s0 =	rddreg [dreg:$0x2]  }
0x373: {  	s0 =	sadd.s32 @!p0 $0x100000, s0  }
0x374: {  	[sflag:s0] =	ssyncadd.tile.s32 @!p0 $0x1;
	_ =	shalt  }
.Lfunc_end2:
_tile_overlayer_lowered:
.L_overlay_start_2:
0x375: {  	(tag) =	ssettag $0x2  }
0x376: {  	s0 =	rddreg [dreg:$0x0];
	s2 =	stileid.u32  }
0x377: {  	s1 =	rddreg [dreg:$0x1];
	p0 =	sne.s32 s2, $0x0  }
0x378: {  	s3 =	rddreg [dreg:$0x2];
	[bflag:$0x3] =	sbarrier.arrive $0xFFFF;
	s2 =	simm.s32 @!p0 $0x1C03  }
0x379: {  	[timem:s3], [sflag:s2] =	dma.local @!p0 [hbm:s0], s1  }
0x37a: {  	s0 =	simm.s32 @!p0 $0x3  }
0x37b: {  	_ =	swait.ge @!p0 [sflag:s0], s1  }
0x37c: {  	s1 =	ssub.s32 @!p0 $0x0, s1;
	[sflag:s0] =	ssyncset.done @!p0 $0x0  }
0x37d: {  	[sflag:s0] =	ssyncadd.s32 @!p0 s1  }
0x37e: {  	[bflag:$0x3] =	sbarrier.arrive $0xFFFF  }
0x37f: {  	_ =	shalt  }

</sc_bundles>
